<compile_context>
chip_gen: v7x
topology: tpu7x:2x2x1
jax: 0.10.2.dev20260603
libtpu: 0.0.44.dev20260713+nightly
codegen_flags: <defaults>
</compile_context>

<pallas_src>
import jax
import jax.numpy as jnp
from jax import lax
from jax.experimental import pallas as pl
from jax.experimental.pallas import tpu as pltpu

B, L, K, V, NUM_OUT, TOPK = 128, 64, 1024, 30522, 18, 32
VT = 512
NV = (V + VT - 1) // VT
J = B * L
CH = 128
NCH = J // CH


def _body(bounds_ref, w_ref, v_ref, pos_ref, nz_ref, b_ref, wout_ref,
          bout_ref, out_ref, acc_ref, c_ref, s_ref, msk_ref):
    t = pl.program_id(0)

    @pl.when(t == 0)
    def _init():
        acc_ref[...] = jnp.zeros_like(acc_ref)
        p = pos_ref[...]
        c_ref[...] = jnp.cos(p)
        s_ref[...] = jnp.sin(p)

    w = w_ref[...]
    cols = lax.broadcasted_iota(jnp.int32, (K, 2 * VT), 1)
    w = jnp.where(cols < (2 * V - t * (2 * VT)), w, 0.0)
    w_hi = w.astype(jnp.bfloat16)
    r1 = w - w_hi.astype(jnp.float32)
    w_mid = r1.astype(jnp.bfloat16)
    w_lo = (r1 - w_mid.astype(jnp.float32)).astype(jnp.bfloat16)

    s0 = bounds_ref[t]
    e0 = bounds_ref[t + 1]
    c0 = s0 // CH
    c1 = (e0 + CH - 1) // CH
    half_iota = lax.broadcasted_iota(jnp.int32, (2 * VT, CH), 0) // 2
    even_row = lax.broadcasted_iota(jnp.int32, (2 * VT, CH), 0) % 2 == 0
    biota = lax.broadcasted_iota(jnp.int32, (B, CH), 0)

    def one_chunk(c):
        cc = jnp.minimum(c, NCH - 1)
        live = (c < c1).astype(jnp.float32)
        vj = v_ref[pl.ds(cc, 1), :]
        dv = vj - t * VT
        inr = (dv >= 0) & (dv < VT)
        p = half_iota == dv
        oh_re = (p & even_row).astype(jnp.bfloat16)
        oh_im = (p & (~even_row)).astype(jnp.bfloat16)
        dn = (((1,), (0,)), ((), ()))

        def gmm(lhs, rhs):
            return lax.dot_general(lhs, rhs, dn,
                                   preferred_element_type=jnp.float32)

        g_re = (gmm(w_hi, oh_re) + gmm(w_mid, oh_re)) + gmm(w_lo, oh_re)
        g_im = (gmm(w_hi, oh_im) + gmm(w_mid, oh_im)) + gmm(w_lo, oh_im)
        cj = c_ref[pl.ds(cc, 1), :]
        sj = s_ref[pl.ds(cc, 1), :]
        fac = nz_ref[pl.ds(cc, 1), :] * inr.astype(jnp.float32) * live
        wabs = jnp.sqrt(g_re * g_re + g_im * g_im)
        re = g_re * cj + g_im * sj
        im = g_im * cj - g_re * sj
        tt = jnp.float32(1e-10)
        ar = jnp.abs(re)
        ay = jnp.maximum(jnp.abs(im), tt)
        ax = jnp.maximum(ar, tt)
        neg = (re < 0) & (ar >= tt)
        mn = jnp.minimum(ax, ay)
        mx = jnp.maximum(ax, ay)
        r = mn / mx
        t2 = r * r
        pp = jnp.float32(-0.0117212)
        pp = pp * t2 + jnp.float32(0.05265332)
        pp = pp * t2 + jnp.float32(-0.11643287)
        pp = pp * t2 + jnp.float32(0.19354346)
        pp = pp * t2 + jnp.float32(-0.33262347)
        pp = pp * t2 + jnp.float32(0.99997726)
        a = r * pp
        hpi = jnp.float32(jnp.pi / 2)
        a = jnp.where(ay > ax, hpi - a, a)
        phi = jnp.where(neg, jnp.float32(jnp.pi) - a, a)
        f = (wabs + phi) * fac
        bj = b_ref[pl.ds(cc, 1), :]
        e = (biota == bj).astype(jnp.float32)
        return lax.dot_general(e, f, (((1,), (1,)), ((), ())),
                               preferred_element_type=jnp.float32,
                               precision=lax.Precision.HIGHEST)

    def chunk_body(u, carry):
        c = c0 + 2 * u
        acc_ref[...] += one_chunk(c) + one_chunk(c + 1)
        return carry

    lax.fori_loop(0, (c1 - c0 + 1) // 2, chunk_body, 0)

    @pl.when(t == NV - 1)
    def _finish():
        a = acc_ref[...]
        kiota = lax.broadcasted_iota(jnp.int32, (B, K), 1)
        msk_ref[...] = jnp.zeros_like(msk_ref)

        def round_body(r, carry):
            am = jnp.where(msk_ref[...] > 0, -1.0, a)
            m = jnp.max(am, axis=1, keepdims=True)
            eq = am == m
            idx = jnp.min(jnp.where(eq, kiota, K + K), axis=1,
                          keepdims=True)
            msk_ref[...] = jnp.where(kiota == idx, 1.0, msk_ref[...])
            return carry

        lax.fori_loop(0, TOPK, round_body, 0)
        feats = msk_ref[...]
        logits = lax.dot_general(feats, wout_ref[...],
                                 (((1,), (1,)), ((), ())),
                                 preferred_element_type=jnp.float32,
                                 precision=lax.Precision.HIGHEST)
        out_ref[...] = logits + bout_ref[...]


@jax.jit
def kernel(obs, W_r, W_out, b_out):
    ids = jnp.squeeze(obs, axis=1)
    nz = ids != 0
    position_ids = jnp.cumsum(nz, axis=-1).astype(jnp.float32)
    slen = nz.sum(-1).astype(jnp.float32)
    any_nz = nz.sum() > 0
    pos = jnp.where(any_nz,
                    jnp.pi * position_ids / slen[:, None],
                    jnp.pi * position_ids / float(L))

    v = ids.reshape(-1)
    perm = jnp.argsort(v)
    v_s = v[perm].astype(jnp.int32)
    pos_s = pos.reshape(-1)[perm]
    nz_s = nz.reshape(-1)[perm].astype(jnp.float32)
    b_s = (perm // L).astype(jnp.int32)
    edges = jnp.arange(NV + 1, dtype=jnp.int32) * VT
    bounds = jnp.searchsorted(v_s, edges).astype(jnp.int32)

    w2 = W_r.reshape(K, 2 * V)

    grid_spec = pltpu.PrefetchScalarGridSpec(
        num_scalar_prefetch=1,
        grid=(NV,),
        in_specs=[
            pl.BlockSpec((K, 2 * VT), lambda t, b: (0, t)),
            pl.BlockSpec((NCH, CH), lambda t, b: (0, 0)),
            pl.BlockSpec((NCH, CH), lambda t, b: (0, 0)),
            pl.BlockSpec((NCH, CH), lambda t, b: (0, 0)),
            pl.BlockSpec((NCH, CH), lambda t, b: (0, 0)),
            pl.BlockSpec((NUM_OUT, K), lambda t, b: (0, 0)),
            pl.BlockSpec((1, NUM_OUT), lambda t, b: (0, 0)),
        ],
        out_specs=pl.BlockSpec((B, NUM_OUT), lambda t, b: (0, 0)),
        scratch_shapes=[
            pltpu.VMEM((B, K), jnp.float32),
            pltpu.VMEM((NCH, CH), jnp.float32),
            pltpu.VMEM((NCH, CH), jnp.float32),
            pltpu.VMEM((B, K), jnp.float32),
        ],
    )
    out = pl.pallas_call(
        _body,
        grid_spec=grid_spec,
        out_shape=jax.ShapeDtypeStruct((B, NUM_OUT), jnp.float32),
    )(bounds, w2, v_s.reshape(NCH, CH), pos_s.reshape(NCH, CH),
      nz_s.reshape(NCH, CH), b_s.reshape(NCH, CH), W_out,
      b_out.reshape(1, NUM_OUT))
    return out

# --- scband reference (transcript-rebuilt; emitter-appended) ---
"""Pipeline reference for scband-impalacomplex-fruitfly-54795192762761 (READ-ONLY COPY).

The authoritative reference and input builder live on the scoring server;
editing this copy changes nothing except your own understanding.
"""

import jax, jax.numpy as jnp
import numpy as np

B, L, K, V, NUM_OUT, TOPK = 128, 64, 1024, 30522, 18, 32


def setup_inputs(seed: int = 0) -> dict:
    key = jax.random.key(seed)
    k1, k2, k3, k4 = jax.random.split(key, 4)
    obs = jax.random.randint(k1, (B, 1, L), 0, V, dtype=jnp.int32)
    # complex weight W stored as real view [K, V, 2] (torch.view_as_complex of randn)
    W_r = jax.random.normal(k2, (K, V, 2), dtype=jnp.float32)
    # action_outputs Linear(K, num_outputs)
    lim = 1.0 / np.sqrt(K)
    W_out = jax.random.uniform(k3, (NUM_OUT, K), dtype=jnp.float32, minval=-lim, maxval=lim)
    b_out = jax.random.uniform(k4, (NUM_OUT,), dtype=jnp.float32, minval=-lim, maxval=lim)
    return {"obs": obs, "W_r": W_r, "W_out": W_out, "b_out": b_out}


def reference(obs, W_r, W_out, b_out):
    ids = jnp.squeeze(obs, axis=1)  # [B, L] int
    window_size = ids.shape[-1]
    non_zeros = ids != 0
    position_ids = jnp.cumsum(non_zeros, axis=-1).astype(jnp.float32)
    sentence_lengths = non_zeros.sum(-1).astype(jnp.float32)
    any_nz = non_zeros.sum() > 0
    pos = jnp.where(any_nz,
                    jnp.pi * position_ids / sentence_lengths[:, None],
                    jnp.pi * position_ids / float(window_size))
    one_roots = jnp.cos(pos) + 1j * jnp.sin(pos)  # [B, L] complex64
    W = W_r[..., 0] + 1j * W_r[..., 1]  # [K, V] complex64
    indices = ids.reshape(-1, window_size).T  # [L, B]
    W_indices = W.T[indices]  # gather -> [L, B, K]
    W_indices = jnp.transpose(W_indices, (2, 1, 0))  # [K, B, L]
    W_abs = jnp.abs(W_indices)
    phis_c = W_indices * jnp.conj(one_roots)  # broadcast [K,B,L]*[B,L]
    t = 1e-10
    re = jnp.real(phis_c)
    im = jnp.imag(phis_c)
    re = jnp.where((re < t) & (re > -t), t, re)
    im = jnp.where((im < t) & (im > -t), t, im)
    phis = jnp.abs(jnp.arctan2(im, re))  # angle().abs()
    # added_factors=True branch
    phi_factor = (W_abs + phis) * non_zeros.astype(jnp.float32)
    phi_factor = jnp.transpose(phi_factor, (1, 0, 2))  # [B, K, L]
    phi_factor = phi_factor.sum(axis=-1)  # [B, K]
    order = jnp.argsort(-phi_factor, axis=-1)  # descending argsort
    trues = order[:, :TOPK]  # [B, k]
    binary_hash = jnp.zeros((ids.shape[0], K), dtype=bool)
    binary_hash = binary_hash.at[jnp.arange(ids.shape[0])[:, None], trues].set(True)
    features = binary_hash.astype(jnp.float32)
    logits = features @ W_out.T + b_out
    return logits

if __name__ == "__main__":
    import jax
    _d = setup_inputs()
    print(jax.jit(kernel)(*tuple(_d.values())))

</pallas_src>

<mosaic_0001>
module attributes {stable_mosaic.version = 14 : i64} {
  func.func @_body(%arg0: i32, %arg1: memref<61xi32, #tpu.memory_space<smem>>, %arg2: memref<1024x1024xf32, #tpu.memory_space<vmem>>, %arg3: memref<64x128xi32, #tpu.memory_space<vmem>>, %arg4: memref<64x128xf32, #tpu.memory_space<vmem>>, %arg5: memref<64x128xf32, #tpu.memory_space<vmem>>, %arg6: memref<64x128xi32, #tpu.memory_space<vmem>>, %arg7: memref<18x1024xf32, #tpu.memory_space<vmem>>, %arg8: memref<1x18xf32, #tpu.memory_space<vmem>>, %arg9: memref<128x18xf32, #tpu.memory_space<vmem>>, %arg10: memref<128x1024xf32, #tpu.memory_space<vmem>>, %arg11: memref<64x128xf32, #tpu.memory_space<vmem>>, %arg12: memref<64x128xf32, #tpu.memory_space<vmem>>, %arg13: memref<128x1024xf32, #tpu.memory_space<vmem>>) attributes {dimension_semantics = [#tpu.dimension_semantics<arbitrary>], iteration_bounds = array<i64: 60>, scalar_prefetch = 1 : i64, scratch_operands = 4 : i64, tpu.core_type = #tpu.core_type<tc>, window_params = [{transform_indices = @transform_0, window_bounds = array<i64: 1024, 1024>}, {pipeline_mode = #tpu.pipeline_mode<synchronous>, transform_indices = @transform_1, window_bounds = array<i64: 64, 128>}, {pipeline_mode = #tpu.pipeline_mode<synchronous>, transform_indices = @transform_2, window_bounds = array<i64: 64, 128>}, {pipeline_mode = #tpu.pipeline_mode<synchronous>, transform_indices = @transform_3, window_bounds = array<i64: 64, 128>}, {pipeline_mode = #tpu.pipeline_mode<synchronous>, transform_indices = @transform_4, window_bounds = array<i64: 64, 128>}, {pipeline_mode = #tpu.pipeline_mode<synchronous>, transform_indices = @transform_5, window_bounds = array<i64: 18, 1024>}, {pipeline_mode = #tpu.pipeline_mode<synchronous>, transform_indices = @transform_6, window_bounds = array<i64: 1, 18>}, {pipeline_mode = #tpu.pipeline_mode<synchronous>, transform_indices = @transform_7, window_bounds = array<i64: 128, 18>}]} {
    %eq3A = arith.constant 0 : i32
    %eq3A_0 = arith.cmpi eq, %arg0, %eq3A : i32
    %convert_element_type3A = arith.extui %eq3A_0 : i1 to i32
    %cond3A = arith.constant 0 : i32
    %cond3A_1 = arith.cmpi ne, %convert_element_type3A, %cond3A : i32
    scf.if %cond3A_1 {
      %broadcast_in_dim3A_166 = arith.constant 0.000000e+00 : f32
      %broadcast_in_dim3A_167 = vector.broadcast %broadcast_in_dim3A_166 : f32 to vector<128x1024xf32>
      %swap3A = arith.constant 0 : index
      %swap3A_168 = arith.constant 0 : index
      %swap3A_169 = vector.load %arg10[%swap3A, %swap3A_168] : memref<128x1024xf32, #tpu.memory_space<vmem>>, vector<128x1024xf32>
      tpu.vector_store %arg10[%swap3A, %swap3A_168], %broadcast_in_dim3A_167 {strides = array<i32>} : memref<128x1024xf32, #tpu.memory_space<vmem>>, vector<128x1024xf32>,
      %get3A_170 = arith.constant 0 : index
      %get3A_171 = arith.constant 0 : index
      %get3A_172 = vector.load %arg4[%get3A_170, %get3A_171] : memref<64x128xf32, #tpu.memory_space<vmem>>, vector<64x128xf32>
      %cos3A = math.cos %get3A_172 : vector<64x128xf32>
      %swap3A_173 = arith.constant 0 : index
      %swap3A_174 = arith.constant 0 : index
      %swap3A_175 = vector.load %arg11[%swap3A_173, %swap3A_174] : memref<64x128xf32, #tpu.memory_space<vmem>>, vector<64x128xf32>
      tpu.vector_store %arg11[%swap3A_173, %swap3A_174], %cos3A {strides = array<i32>} : memref<64x128xf32, #tpu.memory_space<vmem>>, vector<64x128xf32>,
      %sin3A = math.sin %get3A_172 : vector<64x128xf32>
      %swap3A_176 = arith.constant 0 : index
      %swap3A_177 = arith.constant 0 : index
      %swap3A_178 = vector.load %arg12[%swap3A_176, %swap3A_177] : memref<64x128xf32, #tpu.memory_space<vmem>>, vector<64x128xf32>
      tpu.vector_store %arg12[%swap3A_176, %swap3A_177], %sin3A {strides = array<i32>} : memref<64x128xf32, #tpu.memory_space<vmem>>, vector<64x128xf32>,
    } else {
    }
    %get3A = arith.constant 0 : index
    %get3A_2 = arith.constant 0 : index
    %get3A_3 = vector.load %arg2[%get3A, %get3A_2] : memref<1024x1024xf32, #tpu.memory_space<vmem>>, vector<1024x1024xf32>
    %iota3A = tpu.iota {dimensions = array<i32: 1>} : vector<1024x1024xi32>
    %mul3A = arith.constant 1024 : i32
    %mul3A_4 = arith.muli %arg0, %mul3A : i32
    %sub3A = arith.constant 61044 : i32
    %sub3A_5 = arith.subi %sub3A, %mul3A_4 : i32
    %lt3A = vector.broadcast %sub3A_5 : i32 to vector<1024x1024xi32>
    %lt3A_6 = arith.cmpi slt, %iota3A, %lt3A : vector<1024x1024xi32>
    %jit3A = arith.constant 0.000000e+00 : f32
    %broadcast_in_dim3A = vector.broadcast %jit3A : f32 to vector<1024x1024xf32>
    %select_n3A = arith.select %lt3A_6, %get3A_3, %broadcast_in_dim3A : vector<1024x1024xi1>, vector<1024x1024xf32>
    %convert_element_type3A_7 = arith.truncf %select_n3A : vector<1024x1024xf32> to vector<1024x1024xbf16>
    %convert_element_type3A_8 = arith.extf %convert_element_type3A_7 : vector<1024x1024xbf16> to vector<1024x1024xf32>
    %sub3A_9 = arith.subf %select_n3A, %convert_element_type3A_8 : vector<1024x1024xf32>
    %convert_element_type3A_10 = arith.truncf %sub3A_9 : vector<1024x1024xf32> to vector<1024x1024xbf16>
    %convert_element_type3A_11 = arith.extf %convert_element_type3A_10 : vector<1024x1024xbf16> to vector<1024x1024xf32>
    %sub3A_12 = arith.subf %sub3A_9, %convert_element_type3A_11 : vector<1024x1024xf32>
    %convert_element_type3A_13 = arith.truncf %sub3A_12 : vector<1024x1024xf32> to vector<1024x1024xbf16>
    %get3A_14 = arith.index_cast %arg0 : i32 to index
    %get3A_15 = memref.load %arg1[%get3A_14] : memref<61xi32, #tpu.memory_space<smem>>
    %add3A = arith.constant 1 : i32
    %add3A_16 = arith.addi %arg0, %add3A : i32
    %get3A_17 = arith.index_cast %add3A_16 : i32 to index
    %get3A_18 = memref.load %arg1[%get3A_17] : memref<61xi32, #tpu.memory_space<smem>>
    %jit3A_19 = arith.constant 128 : i32
    %div3A = arith.divsi %get3A_15, %jit3A_19 : i32
    %sign3A = arith.constant 0 : i32
    %sign3A_20 = arith.cmpi sgt, %get3A_15, %sign3A : i32
    %sign3A_21 = arith.extui %sign3A_20 : i1 to i32
    %sign3A_22 = arith.constant 0 : i32
    %sign3A_23 = arith.cmpi slt, %get3A_15, %sign3A_22 : i32
    %sign3A_24 = arith.extui %sign3A_23 : i1 to i32
    %sign3A_25 = arith.subi %sign3A_21, %sign3A_24 : i32
    %sign3A_26 = arith.constant 0 : i32
    %sign3A_27 = arith.cmpi sgt, %jit3A_19, %sign3A_26 : i32
    %sign3A_28 = arith.extui %sign3A_27 : i1 to i32
    %sign3A_29 = arith.constant 0 : i32
    %sign3A_30 = arith.cmpi slt, %jit3A_19, %sign3A_29 : i32
    %sign3A_31 = arith.extui %sign3A_30 : i1 to i32
    %sign3A_32 = arith.subi %sign3A_28, %sign3A_31 : i32
    %ne3A = arith.cmpi ne, %sign3A_25, %sign3A_32 : i32
    %rem3A = arith.remsi %get3A_15, %jit3A_19 : i32
    %ne3A_33 = arith.constant 0 : i32
    %ne3A_34 = arith.cmpi ne, %rem3A, %ne3A_33 : i32
    %and3A = arith.andi %ne3A, %ne3A_34 : i1
    %sub3A_35 = arith.constant 1 : i32
    %sub3A_36 = arith.subi %div3A, %sub3A_35 : i32
    %select_n3A_37 = arith.select %and3A, %sub3A_36, %div3A : i32
    %add3A_38 = arith.constant 128 : i32
    %add3A_39 = arith.addi %get3A_18, %add3A_38 : i32
    %sub3A_40 = arith.constant 1 : i32
    %sub3A_41 = arith.subi %add3A_39, %sub3A_40 : i32
    %jit3A_42 = arith.constant 128 : i32
    %div3A_43 = arith.divsi %sub3A_41, %jit3A_42 : i32
    %sign3A_44 = arith.constant 0 : i32
    %sign3A_45 = arith.cmpi sgt, %sub3A_41, %sign3A_44 : i32
    %sign3A_46 = arith.extui %sign3A_45 : i1 to i32
    %sign3A_47 = arith.constant 0 : i32
    %sign3A_48 = arith.cmpi slt, %sub3A_41, %sign3A_47 : i32
    %sign3A_49 = arith.extui %sign3A_48 : i1 to i32
    %sign3A_50 = arith.subi %sign3A_46, %sign3A_49 : i32
    %sign3A_51 = arith.constant 0 : i32
    %sign3A_52 = arith.cmpi sgt, %jit3A_42, %sign3A_51 : i32
    %sign3A_53 = arith.extui %sign3A_52 : i1 to i32
    %sign3A_54 = arith.constant 0 : i32
    %sign3A_55 = arith.cmpi slt, %jit3A_42, %sign3A_54 : i32
    %sign3A_56 = arith.extui %sign3A_55 : i1 to i32
    %sign3A_57 = arith.subi %sign3A_53, %sign3A_56 : i32
    %ne3A_58 = arith.cmpi ne, %sign3A_50, %sign3A_57 : i32
    %rem3A_59 = arith.remsi %sub3A_41, %jit3A_42 : i32
    %ne3A_60 = arith.constant 0 : i32
    %ne3A_61 = arith.cmpi ne, %rem3A_59, %ne3A_60 : i32
    %and3A_62 = arith.andi %ne3A_58, %ne3A_61 : i1
    %sub3A_63 = arith.constant 1 : i32
    %sub3A_64 = arith.subi %div3A_43, %sub3A_63 : i32
    %select_n3A_65 = arith.select %and3A_62, %sub3A_64, %div3A_43 : i32
    %iota3A_66 = tpu.iota {dimensions = array<i32: 0>} : vector<1024x128xi32>
    %jit3A_67 = arith.constant 2 : i32
    %div3A_68 = vector.broadcast %jit3A_67 : i32 to vector<1024x128xi32>
    %div3A_69 = arith.divsi %iota3A_66, %div3A_68 : vector<1024x128xi32>
    %sign3A_70 = arith.constant 0 : i32
    %sign3A_71 = vector.broadcast %sign3A_70 : i32 to vector<1024x128xi32>
    %sign3A_72 = arith.cmpi sgt, %iota3A_66, %sign3A_71 : vector<1024x128xi32>
    %sign3A_73 = arith.extui %sign3A_72 : vector<1024x128xi1> to vector<1024x128xi32>
    %sign3A_74 = arith.constant 0 : i32
    %sign3A_75 = vector.broadcast %sign3A_74 : i32 to vector<1024x128xi32>
    %sign3A_76 = arith.cmpi slt, %iota3A_66, %sign3A_75 : vector<1024x128xi32>
    %sign3A_77 = arith.extui %sign3A_76 : vector<1024x128xi1> to vector<1024x128xi32>
    %sign3A_78 = arith.subi %sign3A_73, %sign3A_77 : vector<1024x128xi32>
    %sign3A_79 = arith.constant 0 : i32
    %sign3A_80 = arith.cmpi sgt, %jit3A_67, %sign3A_79 : i32
    %sign3A_81 = arith.extui %sign3A_80 : i1 to i32
    %sign3A_82 = arith.constant 0 : i32
    %sign3A_83 = arith.cmpi slt, %jit3A_67, %sign3A_82 : i32
    %sign3A_84 = arith.extui %sign3A_83 : i1 to i32
    %sign3A_85 = arith.subi %sign3A_81, %sign3A_84 : i32
    %ne3A_86 = vector.broadcast %sign3A_85 : i32 to vector<1024x128xi32>
    %ne3A_87 = arith.cmpi ne, %sign3A_78, %ne3A_86 : vector<1024x128xi32>
    %rem3A_88 = vector.broadcast %jit3A_67 : i32 to vector<1024x128xi32>
    %rem3A_89 = arith.remsi %iota3A_66, %rem3A_88 : vector<1024x128xi32>
    %ne3A_90 = arith.constant 0 : i32
    %ne3A_91 = vector.broadcast %ne3A_90 : i32 to vector<1024x128xi32>
    %ne3A_92 = arith.cmpi ne, %rem3A_89, %ne3A_91 : vector<1024x128xi32>
    %and3A_93 = arith.andi %ne3A_87, %ne3A_92 : vector<1024x128xi1>
    %sub3A_94 = arith.constant 1 : i32
    %sub3A_95 = vector.broadcast %sub3A_94 : i32 to vector<1024x128xi32>
    %sub3A_96 = arith.subi %div3A_69, %sub3A_95 : vector<1024x128xi32>
    %select_n3A_97 = arith.select %and3A_93, %sub3A_96, %div3A_69 : vector<1024x128xi1>, vector<1024x128xi32>
    %iota3A_98 = tpu.iota {dimensions = array<i32: 0>} : vector<1024x128xi32>
    %jit3A_99 = arith.constant 2 : i32
    %eq3A_100 = arith.constant 0 : i32
    %eq3A_101 = arith.cmpi eq, %jit3A_99, %eq3A_100 : i32
    %jit3A_102 = arith.constant 1 : i32
    %select_n3A_103 = arith.select %eq3A_101, %jit3A_102, %jit3A_99 : i32
    %rem3A_104 = vector.broadcast %select_n3A_103 : i32 to vector<1024x128xi32>
    %rem3A_105 = arith.remsi %iota3A_98, %rem3A_104 : vector<1024x128xi32>
    %ne3A_106 = arith.constant 0 : i32
    %ne3A_107 = vector.broadcast %ne3A_106 : i32 to vector<1024x128xi32>
    %ne3A_108 = arith.cmpi ne, %rem3A_105, %ne3A_107 : vector<1024x128xi32>
    %lt3A_109 = arith.constant 0 : i32
    %lt3A_110 = vector.broadcast %lt3A_109 : i32 to vector<1024x128xi32>
    %lt3A_111 = arith.cmpi slt, %rem3A_105, %lt3A_110 : vector<1024x128xi32>
    %lt3A_112 = arith.constant 0 : i32
    %lt3A_113 = arith.cmpi slt, %select_n3A_103, %lt3A_112 : i32
    %ne3A_114 = vector.broadcast %lt3A_113 : i1 to vector<1024x128xi1>
    %ne3A_115 = vector.broadcast %ne3A_114 : vector<1024x128xi1> to vector<1024x128xi1>
    %ne3A_116 = arith.xori %lt3A_111, %ne3A_115 : vector<1024x128xi1>
    %and3A_117 = arith.andi %ne3A_116, %ne3A_108 : vector<1024x128xi1>
    %add3A_118 = vector.broadcast %select_n3A_103 : i32 to vector<1024x128xi32>
    %add3A_119 = arith.addi %rem3A_105, %add3A_118 : vector<1024x128xi32>
    %select_n3A_120 = arith.select %and3A_117, %add3A_119, %rem3A_105 : vector<1024x128xi1>, vector<1024x128xi32>
    %eq3A_121 = arith.constant 0 : i32
    %eq3A_122 = vector.broadcast %eq3A_121 : i32 to vector<1024x128xi32>
    %eq3A_123 = arith.cmpi eq, %select_n3A_120, %eq3A_122 : vector<1024x128xi32>
    %iota3A_124 = tpu.iota {dimensions = array<i32: 0>} : vector<128x128xi32>
    %sub3A_125 = arith.subi %select_n3A_65, %select_n3A_37 : i32
    %add3A_126 = arith.constant 1 : i32
    %add3A_127 = arith.addi %sub3A_125, %add3A_126 : i32
    %jit3A_128 = arith.constant 2 : i32
    %div3A_129 = arith.divsi %add3A_127, %jit3A_128 : i32
    %sign3A_130 = arith.constant 0 : i32
    %sign3A_131 = arith.cmpi sgt, %add3A_127, %sign3A_130 : i32
    %sign3A_132 = arith.extui %sign3A_131 : i1 to i32
    %sign3A_133 = arith.constant 0 : i32
    %sign3A_134 = arith.cmpi slt, %add3A_127, %sign3A_133 : i32
    %sign3A_135 = arith.extui %sign3A_134 : i1 to i32
    %sign3A_136 = arith.subi %sign3A_132, %sign3A_135 : i32
    %sign3A_137 = arith.constant 0 : i32
    %sign3A_138 = arith.cmpi sgt, %jit3A_128, %sign3A_137 : i32
    %sign3A_139 = arith.extui %sign3A_138 : i1 to i32
    %sign3A_140 = arith.constant 0 : i32
    %sign3A_141 = arith.cmpi slt, %jit3A_128, %sign3A_140 : i32
    %sign3A_142 = arith.extui %sign3A_141 : i1 to i32
    %sign3A_143 = arith.subi %sign3A_139, %sign3A_142 : i32
    %ne3A_144 = arith.cmpi ne, %sign3A_136, %sign3A_143 : i32
    %rem3A_145 = arith.remsi %add3A_127, %jit3A_128 : i32
    %ne3A_146 = arith.constant 0 : i32
    %ne3A_147 = arith.cmpi ne, %rem3A_145, %ne3A_146 : i32
    %and3A_148 = arith.andi %ne3A_144, %ne3A_147 : i1
    %sub3A_149 = arith.constant 1 : i32
    %sub3A_150 = arith.subi %div3A_129, %sub3A_149 : i32
    %select_n3A_151 = arith.select %and3A_148, %sub3A_150, %div3A_129 : i32
    %while3A = arith.constant 0 : i32
    %while3A_152 = arith.constant 0 : i32
    %while3A_153 = arith.subi %select_n3A_151, %while3A_152 : i32
    %while3A_154 = arith.addi %while3A_152, %while3A_153 : i32
    %while3A_155 = arith.constant 1 : i32
    %while3A_156 = arith.divsi %while3A_153, %while3A_155 : i32
    %while3A_157 = arith.muli %while3A_156, %while3A_155 : i32
    %while3A_158 = arith.addi %while3A_152, %while3A_157 : i32
    %while3A_159 = arith.constant 1 : i32
    scf.for %while3A_166 = %while3A_152 to %while3A_158 step %while3A_159  : i32 {
      %mul3A_167 = arith.constant 2 : i32
      %mul3A_168 = arith.muli %mul3A_167, %while3A_166 : i32
      %add3A_169 = arith.addi %select_n3A_37, %mul3A_168 : i32
      %get3A_170 = arith.constant 0 : index
      %get3A_171 = arith.constant 0 : index
      %get3A_172 = vector.load %arg10[%get3A_170, %get3A_171] : memref<128x1024xf32, #tpu.memory_space<vmem>>, vector<128x1024xf32>
      %min3A = arith.constant 63 : i32
      %min3A_173 = arith.minsi %add3A_169, %min3A : i32
      %lt3A_174 = arith.cmpi slt, %add3A_169, %select_n3A_65 : i32
      %convert_element_type3A_175 = arith.extui %lt3A_174 : i1 to i32
      %convert_element_type3A_176 = arith.sitofp %convert_element_type3A_175 : i32 to f32
      %get3A_177 = arith.index_cast %min3A_173 : i32 to index
      %get3A_178 = arith.constant 0 : index
      %get3A_179 = vector.load %arg3[%get3A_177, %get3A_178] : memref<64x128xi32, #tpu.memory_space<vmem>>, vector<1x128xi32>
      %mul3A_180 = arith.constant 512 : i32
      %mul3A_181 = arith.muli %arg0, %mul3A_180 : i32
      %sub3A_182 = vector.broadcast %mul3A_181 : i32 to vector<1x128xi32>
      %sub3A_183 = arith.subi %get3A_179, %sub3A_182 : vector<1x128xi32>
      %ge3A = arith.constant 0 : i32
      %ge3A_184 = vector.broadcast %ge3A : i32 to vector<1x128xi32>
      %ge3A_185 = arith.cmpi sge, %sub3A_183, %ge3A_184 : vector<1x128xi32>
      %lt3A_186 = arith.constant 512 : i32
      %lt3A_187 = vector.broadcast %lt3A_186 : i32 to vector<1x128xi32>
      %lt3A_188 = arith.cmpi slt, %sub3A_183, %lt3A_187 : vector<1x128xi32>
      %and3A_189 = arith.andi %ge3A_185, %lt3A_188 : vector<1x128xi1>
      %eq3A_190 = vector.broadcast %sub3A_183 : vector<1x128xi32> to vector<1024x128xi32>
      %eq3A_191 = arith.cmpi eq, %select_n3A_97, %eq3A_190 : vector<1024x128xi32>
      %and3A_192 = arith.andi %eq3A_191, %eq3A_123 : vector<1024x128xi1>
      %convert_element_type3A_193 = arith.extui %and3A_192 : vector<1024x128xi1> to vector<1024x128xi32>
      %convert_element_type3A_194 = arith.sitofp %convert_element_type3A_193 : vector<1024x128xi32> to vector<1024x128xf32>
      %convert_element_type3A_195 = arith.truncf %convert_element_type3A_194 : vector<1024x128xf32> to vector<1024x128xbf16>
      %not3A = arith.constant dense<true> : vector<1024x128xi1>
      %not3A_196 = arith.xori %eq3A_123, %not3A : vector<1024x128xi1>
      %and3A_197 = arith.andi %eq3A_191, %not3A_196 : vector<1024x128xi1>
      %convert_element_type3A_198 = arith.extui %and3A_197 : vector<1024x128xi1> to vector<1024x128xi32>
      %convert_element_type3A_199 = arith.sitofp %convert_element_type3A_198 : vector<1024x128xi32> to vector<1024x128xf32>
      %convert_element_type3A_200 = arith.truncf %convert_element_type3A_199 : vector<1024x128xf32> to vector<1024x128xbf16>
      %dot_general3A = arith.constant dense<0.000000e+00> : vector<1024x128xf32>
      %dot_general3A_201 = tpu.matmul %convert_element_type3A_7, %convert_element_type3A_195, %dot_general3A {dimension_numbers = #tpu.dot_dimension_numbers<[1], [0], [0], [1], [0, 0, 1, 1], [], []>, transpose_lhs_hint = false} : vector<1024x1024xbf16>, vector<1024x128xbf16>, vector<1024x128xf32> -> vector<1024x128xf32>
      %dot_general3A_202 = arith.constant dense<0.000000e+00> : vector<1024x128xf32>
      %dot_general3A_203 = tpu.matmul %convert_element_type3A_10, %convert_element_type3A_195, %dot_general3A_202 {dimension_numbers = #tpu.dot_dimension_numbers<[1], [0], [0], [1], [0, 0, 1, 1], [], []>, transpose_lhs_hint = false} : vector<1024x1024xbf16>, vector<1024x128xbf16>, vector<1024x128xf32> -> vector<1024x128xf32>
      %add3A_204 = arith.addf %dot_general3A_201, %dot_general3A_203 : vector<1024x128xf32>
      %dot_general3A_205 = arith.constant dense<0.000000e+00> : vector<1024x128xf32>
      %dot_general3A_206 = tpu.matmul %convert_element_type3A_13, %convert_element_type3A_195, %dot_general3A_205 {dimension_numbers = #tpu.dot_dimension_numbers<[1], [0], [0], [1], [0, 0, 1, 1], [], []>, transpose_lhs_hint = false} : vector<1024x1024xbf16>, vector<1024x128xbf16>, vector<1024x128xf32> -> vector<1024x128xf32>
      %add3A_207 = arith.addf %add3A_204, %dot_general3A_206 : vector<1024x128xf32>
      %dot_general3A_208 = arith.constant dense<0.000000e+00> : vector<1024x128xf32>
      %dot_general3A_209 = tpu.matmul %convert_element_type3A_7, %convert_element_type3A_200, %dot_general3A_208 {dimension_numbers = #tpu.dot_dimension_numbers<[1], [0], [0], [1], [0, 0, 1, 1], [], []>, transpose_lhs_hint = false} : vector<1024x1024xbf16>, vector<1024x128xbf16>, vector<1024x128xf32> -> vector<1024x128xf32>
      %dot_general3A_210 = arith.constant dense<0.000000e+00> : vector<1024x128xf32>
      %dot_general3A_211 = tpu.matmul %convert_element_type3A_10, %convert_element_type3A_200, %dot_general3A_210 {dimension_numbers = #tpu.dot_dimension_numbers<[1], [0], [0], [1], [0, 0, 1, 1], [], []>, transpose_lhs_hint = false} : vector<1024x1024xbf16>, vector<1024x128xbf16>, vector<1024x128xf32> -> vector<1024x128xf32>
      %add3A_212 = arith.addf %dot_general3A_209, %dot_general3A_211 : vector<1024x128xf32>
      %dot_general3A_213 = arith.constant dense<0.000000e+00> : vector<1024x128xf32>
      %dot_general3A_214 = tpu.matmul %convert_element_type3A_13, %convert_element_type3A_200, %dot_general3A_213 {dimension_numbers = #tpu.dot_dimension_numbers<[1], [0], [0], [1], [0, 0, 1, 1], [], []>, transpose_lhs_hint = false} : vector<1024x1024xbf16>, vector<1024x128xbf16>, vector<1024x128xf32> -> vector<1024x128xf32>
      %add3A_215 = arith.addf %add3A_212, %dot_general3A_214 : vector<1024x128xf32>
      %get3A_216 = arith.index_cast %min3A_173 : i32 to index
      %get3A_217 = arith.constant 0 : index
      %get3A_218 = vector.load %arg11[%get3A_216, %get3A_217] : memref<64x128xf32, #tpu.memory_space<vmem>>, vector<1x128xf32>
      %get3A_219 = arith.index_cast %min3A_173 : i32 to index
      %get3A_220 = arith.constant 0 : index
      %get3A_221 = vector.load %arg12[%get3A_219, %get3A_220] : memref<64x128xf32, #tpu.memory_space<vmem>>, vector<1x128xf32>
      %get3A_222 = arith.index_cast %min3A_173 : i32 to index
      %get3A_223 = arith.constant 0 : index
      %get3A_224 = vector.load %arg5[%get3A_222, %get3A_223] : memref<64x128xf32, #tpu.memory_space<vmem>>, vector<1x128xf32>
      %convert_element_type3A_225 = arith.extui %and3A_189 : vector<1x128xi1> to vector<1x128xi32>
      %convert_element_type3A_226 = arith.sitofp %convert_element_type3A_225 : vector<1x128xi32> to vector<1x128xf32>
      %mul3A_227 = arith.mulf %get3A_224, %convert_element_type3A_226 : vector<1x128xf32>
      %mul3A_228 = vector.broadcast %convert_element_type3A_176 : f32 to vector<1x128xf32>
      %mul3A_229 = arith.mulf %mul3A_227, %mul3A_228 : vector<1x128xf32>
      %mul3A_230 = arith.mulf %add3A_207, %add3A_207 : vector<1024x128xf32>
      %mul3A_231 = arith.mulf %add3A_215, %add3A_215 : vector<1024x128xf32>
      %add3A_232 = arith.addf %mul3A_230, %mul3A_231 : vector<1024x128xf32>
      %sqrt3A = math.sqrt %add3A_232 : vector<1024x128xf32>
      %mul3A_233 = vector.broadcast %get3A_218 : vector<1x128xf32> to vector<1024x128xf32>
      %mul3A_234 = arith.mulf %add3A_207, %mul3A_233 : vector<1024x128xf32>
      %mul3A_235 = vector.broadcast %get3A_221 : vector<1x128xf32> to vector<1024x128xf32>
      %mul3A_236 = arith.mulf %add3A_215, %mul3A_235 : vector<1024x128xf32>
      %add3A_237 = arith.addf %mul3A_234, %mul3A_236 : vector<1024x128xf32>
      %mul3A_238 = vector.broadcast %get3A_218 : vector<1x128xf32> to vector<1024x128xf32>
      %mul3A_239 = arith.mulf %add3A_215, %mul3A_238 : vector<1024x128xf32>
      %mul3A_240 = vector.broadcast %get3A_221 : vector<1x128xf32> to vector<1024x128xf32>
      %mul3A_241 = arith.mulf %add3A_207, %mul3A_240 : vector<1024x128xf32>
      %sub3A_242 = arith.subf %mul3A_239, %mul3A_241 : vector<1024x128xf32>
      %abs3A = math.absf %add3A_237 : vector<1024x128xf32>
      %abs3A_243 = math.absf %sub3A_242 : vector<1024x128xf32>
      %max3A = arith.constant 1.000000e-10 : f32
      %max3A_244 = vector.broadcast %max3A : f32 to vector<1024x128xf32>
      %max3A_245 = arith.maximumf %abs3A_243, %max3A_244 : vector<1024x128xf32>
      %max3A_246 = arith.constant 1.000000e-10 : f32
      %max3A_247 = vector.broadcast %max3A_246 : f32 to vector<1024x128xf32>
      %max3A_248 = arith.maximumf %abs3A, %max3A_247 : vector<1024x128xf32>
      %lt3A_249 = arith.constant 0.000000e+00 : f32
      %lt3A_250 = vector.broadcast %lt3A_249 : f32 to vector<1024x128xf32>
      %lt3A_251 = arith.cmpf olt, %add3A_237, %lt3A_250 : vector<1024x128xf32>
      %ge3A_252 = arith.constant 1.000000e-10 : f32
      %ge3A_253 = vector.broadcast %ge3A_252 : f32 to vector<1024x128xf32>
      %ge3A_254 = arith.cmpf oge, %abs3A, %ge3A_253 : vector<1024x128xf32>
      %and3A_255 = arith.andi %lt3A_251, %ge3A_254 : vector<1024x128xi1>
      %min3A_256 = arith.minimumf %max3A_248, %max3A_245 : vector<1024x128xf32>
      %max3A_257 = arith.maximumf %max3A_248, %max3A_245 : vector<1024x128xf32>
      %div3A_258 = arith.divf %min3A_256, %max3A_257 : vector<1024x128xf32>
      %mul3A_259 = arith.mulf %div3A_258, %div3A_258 : vector<1024x128xf32>
      %mul3A_260 = arith.constant -1.172120e-02 : f32
      %mul3A_261 = vector.broadcast %mul3A_260 : f32 to vector<1024x128xf32>
      %mul3A_262 = arith.mulf %mul3A_261, %mul3A_259 : vector<1024x128xf32>
      %add3A_263 = arith.constant 0.0526533201 : f32
      %add3A_264 = vector.broadcast %add3A_263 : f32 to vector<1024x128xf32>
      %add3A_265 = arith.addf %mul3A_262, %add3A_264 : vector<1024x128xf32>
      %mul3A_266 = arith.mulf %add3A_265, %mul3A_259 : vector<1024x128xf32>
      %add3A_267 = arith.constant -0.116432868 : f32
      %add3A_268 = vector.broadcast %add3A_267 : f32 to vector<1024x128xf32>
      %add3A_269 = arith.addf %mul3A_266, %add3A_268 : vector<1024x128xf32>
      %mul3A_270 = arith.mulf %add3A_269, %mul3A_259 : vector<1024x128xf32>
      %add3A_271 = arith.constant 0.193543464 : f32
      %add3A_272 = vector.broadcast %add3A_271 : f32 to vector<1024x128xf32>
      %add3A_273 = arith.addf %mul3A_270, %add3A_272 : vector<1024x128xf32>
      %mul3A_274 = arith.mulf %add3A_273, %mul3A_259 : vector<1024x128xf32>
      %add3A_275 = arith.constant -0.332623482 : f32
      %add3A_276 = vector.broadcast %add3A_275 : f32 to vector<1024x128xf32>
      %add3A_277 = arith.addf %mul3A_274, %add3A_276 : vector<1024x128xf32>
      %mul3A_278 = arith.mulf %add3A_277, %mul3A_259 : vector<1024x128xf32>
      %add3A_279 = arith.constant 0.999977231 : f32
      %add3A_280 = vector.broadcast %add3A_279 : f32 to vector<1024x128xf32>
      %add3A_281 = arith.addf %mul3A_278, %add3A_280 : vector<1024x128xf32>
      %mul3A_282 = arith.mulf %div3A_258, %add3A_281 : vector<1024x128xf32>
      %gt3A = arith.cmpf ogt, %max3A_245, %max3A_248 : vector<1024x128xf32>
      %sub3A_283 = arith.constant 1.57079637 : f32
      %sub3A_284 = vector.broadcast %sub3A_283 : f32 to vector<1024x128xf32>
      %sub3A_285 = arith.subf %sub3A_284, %mul3A_282 : vector<1024x128xf32>
      %select_n3A_286 = arith.select %gt3A, %sub3A_285, %mul3A_282 : vector<1024x128xi1>, vector<1024x128xf32>
      %sub3A_287 = arith.constant 3.14159274 : f32
      %sub3A_288 = vector.broadcast %sub3A_287 : f32 to vector<1024x128xf32>
      %sub3A_289 = arith.subf %sub3A_288, %select_n3A_286 : vector<1024x128xf32>
      %select_n3A_290 = arith.select %and3A_255, %sub3A_289, %select_n3A_286 : vector<1024x128xi1>, vector<1024x128xf32>
      %add3A_291 = arith.addf %sqrt3A, %select_n3A_290 : vector<1024x128xf32>
      %mul3A_292 = vector.broadcast %mul3A_229 : vector<1x128xf32> to vector<1024x128xf32>
      %mul3A_293 = arith.mulf %add3A_291, %mul3A_292 : vector<1024x128xf32>
      %get3A_294 = arith.index_cast %min3A_173 : i32 to index
      %get3A_295 = arith.constant 0 : index
      %get3A_296 = vector.load %arg6[%get3A_294, %get3A_295] : memref<64x128xi32, #tpu.memory_space<vmem>>, vector<1x128xi32>
      %eq3A_297 = vector.broadcast %get3A_296 : vector<1x128xi32> to vector<128x128xi32>
      %eq3A_298 = arith.cmpi eq, %iota3A_124, %eq3A_297 : vector<128x128xi32>
      %convert_element_type3A_299 = arith.extui %eq3A_298 : vector<128x128xi1> to vector<128x128xi32>
      %convert_element_type3A_300 = arith.sitofp %convert_element_type3A_299 : vector<128x128xi32> to vector<128x128xf32>
      %dot_general3A_301 = arith.constant dense<0.000000e+00> : vector<128x1024xf32>
      %dot_general3A_302 = tpu.matmul %convert_element_type3A_300, %mul3A_293, %dot_general3A_301 {dimension_numbers = #tpu.dot_dimension_numbers<[1], [1], [0], [0], [0, 0, 1, 0], [], []>, precision = #tpu.contract_precision<fp32>, transpose_lhs_hint = false} : vector<128x128xf32>, vector<1024x128xf32>, vector<128x1024xf32> -> vector<128x1024xf32>
      %add3A_303 = arith.constant 1 : i32
      %add3A_304 = arith.addi %add3A_169, %add3A_303 : i32
      %min3A_305 = arith.constant 63 : i32
      %min3A_306 = arith.minsi %add3A_304, %min3A_305 : i32
      %lt3A_307 = arith.cmpi slt, %add3A_304, %select_n3A_65 : i32
      %convert_element_type3A_308 = arith.extui %lt3A_307 : i1 to i32
      %convert_element_type3A_309 = arith.sitofp %convert_element_type3A_308 : i32 to f32
      %get3A_310 = arith.index_cast %min3A_306 : i32 to index
      %get3A_311 = arith.constant 0 : index
      %get3A_312 = vector.load %arg3[%get3A_310, %get3A_311] : memref<64x128xi32, #tpu.memory_space<vmem>>, vector<1x128xi32>
      %mul3A_313 = arith.constant 512 : i32
      %mul3A_314 = arith.muli %arg0, %mul3A_313 : i32
      %sub3A_315 = vector.broadcast %mul3A_314 : i32 to vector<1x128xi32>
      %sub3A_316 = arith.subi %get3A_312, %sub3A_315 : vector<1x128xi32>
      %ge3A_317 = arith.constant 0 : i32
      %ge3A_318 = vector.broadcast %ge3A_317 : i32 to vector<1x128xi32>
      %ge3A_319 = arith.cmpi sge, %sub3A_316, %ge3A_318 : vector<1x128xi32>
      %lt3A_320 = arith.constant 512 : i32
      %lt3A_321 = vector.broadcast %lt3A_320 : i32 to vector<1x128xi32>
      %lt3A_322 = arith.cmpi slt, %sub3A_316, %lt3A_321 : vector<1x128xi32>
      %and3A_323 = arith.andi %ge3A_319, %lt3A_322 : vector<1x128xi1>
      %eq3A_324 = vector.broadcast %sub3A_316 : vector<1x128xi32> to vector<1024x128xi32>
      %eq3A_325 = arith.cmpi eq, %select_n3A_97, %eq3A_324 : vector<1024x128xi32>
      %and3A_326 = arith.andi %eq3A_325, %eq3A_123 : vector<1024x128xi1>
      %convert_element_type3A_327 = arith.extui %and3A_326 : vector<1024x128xi1> to vector<1024x128xi32>
      %convert_element_type3A_328 = arith.sitofp %convert_element_type3A_327 : vector<1024x128xi32> to vector<1024x128xf32>
      %convert_element_type3A_329 = arith.truncf %convert_element_type3A_328 : vector<1024x128xf32> to vector<1024x128xbf16>
      %not3A_330 = arith.constant dense<true> : vector<1024x128xi1>
      %not3A_331 = arith.xori %eq3A_123, %not3A_330 : vector<1024x128xi1>
      %and3A_332 = arith.andi %eq3A_325, %not3A_331 : vector<1024x128xi1>
      %convert_element_type3A_333 = arith.extui %and3A_332 : vector<1024x128xi1> to vector<1024x128xi32>
      %convert_element_type3A_334 = arith.sitofp %convert_element_type3A_333 : vector<1024x128xi32> to vector<1024x128xf32>
      %convert_element_type3A_335 = arith.truncf %convert_element_type3A_334 : vector<1024x128xf32> to vector<1024x128xbf16>
      %dot_general3A_336 = arith.constant dense<0.000000e+00> : vector<1024x128xf32>
      %dot_general3A_337 = tpu.matmul %convert_element_type3A_7, %convert_element_type3A_329, %dot_general3A_336 {dimension_numbers = #tpu.dot_dimension_numbers<[1], [0], [0], [1], [0, 0, 1, 1], [], []>, transpose_lhs_hint = false} : vector<1024x1024xbf16>, vector<1024x128xbf16>, vector<1024x128xf32> -> vector<1024x128xf32>
      %dot_general3A_338 = arith.constant dense<0.000000e+00> : vector<1024x128xf32>
      %dot_general3A_339 = tpu.matmul %convert_element_type3A_10, %convert_element_type3A_329, %dot_general3A_338 {dimension_numbers = #tpu.dot_dimension_numbers<[1], [0], [0], [1], [0, 0, 1, 1], [], []>, transpose_lhs_hint = false} : vector<1024x1024xbf16>, vector<1024x128xbf16>, vector<1024x128xf32> -> vector<1024x128xf32>
      %add3A_340 = arith.addf %dot_general3A_337, %dot_general3A_339 : vector<1024x128xf32>
      %dot_general3A_341 = arith.constant dense<0.000000e+00> : vector<1024x128xf32>
      %dot_general3A_342 = tpu.matmul %convert_element_type3A_13, %convert_element_type3A_329, %dot_general3A_341 {dimension_numbers = #tpu.dot_dimension_numbers<[1], [0], [0], [1], [0, 0, 1, 1], [], []>, transpose_lhs_hint = false} : vector<1024x1024xbf16>, vector<1024x128xbf16>, vector<1024x128xf32> -> vector<1024x128xf32>
      %add3A_343 = arith.addf %add3A_340, %dot_general3A_342 : vector<1024x128xf32>
      %dot_general3A_344 = arith.constant dense<0.000000e+00> : vector<1024x128xf32>
      %dot_general3A_345 = tpu.matmul %convert_element_type3A_7, %convert_element_type3A_335, %dot_general3A_344 {dimension_numbers = #tpu.dot_dimension_numbers<[1], [0], [0], [1], [0, 0, 1, 1], [], []>, transpose_lhs_hint = false} : vector<1024x1024xbf16>, vector<1024x128xbf16>, vector<1024x128xf32> -> vector<1024x128xf32>
      %dot_general3A_346 = arith.constant dense<0.000000e+00> : vector<1024x128xf32>
      %dot_general3A_347 = tpu.matmul %convert_element_type3A_10, %convert_element_type3A_335, %dot_general3A_346 {dimension_numbers = #tpu.dot_dimension_numbers<[1], [0], [0], [1], [0, 0, 1, 1], [], []>, transpose_lhs_hint = false} : vector<1024x1024xbf16>, vector<1024x128xbf16>, vector<1024x128xf32> -> vector<1024x128xf32>
      %add3A_348 = arith.addf %dot_general3A_345, %dot_general3A_347 : vector<1024x128xf32>
      %dot_general3A_349 = arith.constant dense<0.000000e+00> : vector<1024x128xf32>
      %dot_general3A_350 = tpu.matmul %convert_element_type3A_13, %convert_element_type3A_335, %dot_general3A_349 {dimension_numbers = #tpu.dot_dimension_numbers<[1], [0], [0], [1], [0, 0, 1, 1], [], []>, transpose_lhs_hint = false} : vector<1024x1024xbf16>, vector<1024x128xbf16>, vector<1024x128xf32> -> vector<1024x128xf32>
      %add3A_351 = arith.addf %add3A_348, %dot_general3A_350 : vector<1024x128xf32>
      %get3A_352 = arith.index_cast %min3A_306 : i32 to index
      %get3A_353 = arith.constant 0 : index
      %get3A_354 = vector.load %arg11[%get3A_352, %get3A_353] : memref<64x128xf32, #tpu.memory_space<vmem>>, vector<1x128xf32>
      %get3A_355 = arith.index_cast %min3A_306 : i32 to index
      %get3A_356 = arith.constant 0 : index
      %get3A_357 = vector.load %arg12[%get3A_355, %get3A_356] : memref<64x128xf32, #tpu.memory_space<vmem>>, vector<1x128xf32>
      %get3A_358 = arith.index_cast %min3A_306 : i32 to index
      %get3A_359 = arith.constant 0 : index
      %get3A_360 = vector.load %arg5[%get3A_358, %get3A_359] : memref<64x128xf32, #tpu.memory_space<vmem>>, vector<1x128xf32>
      %convert_element_type3A_361 = arith.extui %and3A_323 : vector<1x128xi1> to vector<1x128xi32>
      %convert_element_type3A_362 = arith.sitofp %convert_element_type3A_361 : vector<1x128xi32> to vector<1x128xf32>
      %mul3A_363 = arith.mulf %get3A_360, %convert_element_type3A_362 : vector<1x128xf32>
      %mul3A_364 = vector.broadcast %convert_element_type3A_309 : f32 to vector<1x128xf32>
      %mul3A_365 = arith.mulf %mul3A_363, %mul3A_364 : vector<1x128xf32>
      %mul3A_366 = arith.mulf %add3A_343, %add3A_343 : vector<1024x128xf32>
      %mul3A_367 = arith.mulf %add3A_351, %add3A_351 : vector<1024x128xf32>
      %add3A_368 = arith.addf %mul3A_366, %mul3A_367 : vector<1024x128xf32>
      %sqrt3A_369 = math.sqrt %add3A_368 : vector<1024x128xf32>
      %mul3A_370 = vector.broadcast %get3A_354 : vector<1x128xf32> to vector<1024x128xf32>
      %mul3A_371 = arith.mulf %add3A_343, %mul3A_370 : vector<1024x128xf32>
      %mul3A_372 = vector.broadcast %get3A_357 : vector<1x128xf32> to vector<1024x128xf32>
      %mul3A_373 = arith.mulf %add3A_351, %mul3A_372 : vector<1024x128xf32>
      %add3A_374 = arith.addf %mul3A_371, %mul3A_373 : vector<1024x128xf32>
      %mul3A_375 = vector.broadcast %get3A_354 : vector<1x128xf32> to vector<1024x128xf32>
      %mul3A_376 = arith.mulf %add3A_351, %mul3A_375 : vector<1024x128xf32>
      %mul3A_377 = vector.broadcast %get3A_357 : vector<1x128xf32> to vector<1024x128xf32>
      %mul3A_378 = arith.mulf %add3A_343, %mul3A_377 : vector<1024x128xf32>
      %sub3A_379 = arith.subf %mul3A_376, %mul3A_378 : vector<1024x128xf32>
      %abs3A_380 = math.absf %add3A_374 : vector<1024x128xf32>
      %abs3A_381 = math.absf %sub3A_379 : vector<1024x128xf32>
      %max3A_382 = arith.constant 1.000000e-10 : f32
      %max3A_383 = vector.broadcast %max3A_382 : f32 to vector<1024x128xf32>
      %max3A_384 = arith.maximumf %abs3A_381, %max3A_383 : vector<1024x128xf32>
      %max3A_385 = arith.constant 1.000000e-10 : f32
      %max3A_386 = vector.broadcast %max3A_385 : f32 to vector<1024x128xf32>
      %max3A_387 = arith.maximumf %abs3A_380, %max3A_386 : vector<1024x128xf32>
      %lt3A_388 = arith.constant 0.000000e+00 : f32
      %lt3A_389 = vector.broadcast %lt3A_388 : f32 to vector<1024x128xf32>
      %lt3A_390 = arith.cmpf olt, %add3A_374, %lt3A_389 : vector<1024x128xf32>
      %ge3A_391 = arith.constant 1.000000e-10 : f32
      %ge3A_392 = vector.broadcast %ge3A_391 : f32 to vector<1024x128xf32>
      %ge3A_393 = arith.cmpf oge, %abs3A_380, %ge3A_392 : vector<1024x128xf32>
      %and3A_394 = arith.andi %lt3A_390, %ge3A_393 : vector<1024x128xi1>
      %min3A_395 = arith.minimumf %max3A_387, %max3A_384 : vector<1024x128xf32>
      %max3A_396 = arith.maximumf %max3A_387, %max3A_384 : vector<1024x128xf32>
      %div3A_397 = arith.divf %min3A_395, %max3A_396 : vector<1024x128xf32>
      %mul3A_398 = arith.mulf %div3A_397, %div3A_397 : vector<1024x128xf32>
      %mul3A_399 = arith.constant -1.172120e-02 : f32
      %mul3A_400 = vector.broadcast %mul3A_399 : f32 to vector<1024x128xf32>
      %mul3A_401 = arith.mulf %mul3A_400, %mul3A_398 : vector<1024x128xf32>
      %add3A_402 = arith.constant 0.0526533201 : f32
      %add3A_403 = vector.broadcast %add3A_402 : f32 to vector<1024x128xf32>
      %add3A_404 = arith.addf %mul3A_401, %add3A_403 : vector<1024x128xf32>
      %mul3A_405 = arith.mulf %add3A_404, %mul3A_398 : vector<1024x128xf32>
      %add3A_406 = arith.constant -0.116432868 : f32
      %add3A_407 = vector.broadcast %add3A_406 : f32 to vector<1024x128xf32>
      %add3A_408 = arith.addf %mul3A_405, %add3A_407 : vector<1024x128xf32>
      %mul3A_409 = arith.mulf %add3A_408, %mul3A_398 : vector<1024x128xf32>
      %add3A_410 = arith.constant 0.193543464 : f32
      %add3A_411 = vector.broadcast %add3A_410 : f32 to vector<1024x128xf32>
      %add3A_412 = arith.addf %mul3A_409, %add3A_411 : vector<1024x128xf32>
      %mul3A_413 = arith.mulf %add3A_412, %mul3A_398 : vector<1024x128xf32>
      %add3A_414 = arith.constant -0.332623482 : f32
      %add3A_415 = vector.broadcast %add3A_414 : f32 to vector<1024x128xf32>
      %add3A_416 = arith.addf %mul3A_413, %add3A_415 : vector<1024x128xf32>
      %mul3A_417 = arith.mulf %add3A_416, %mul3A_398 : vector<1024x128xf32>
      %add3A_418 = arith.constant 0.999977231 : f32
      %add3A_419 = vector.broadcast %add3A_418 : f32 to vector<1024x128xf32>
      %add3A_420 = arith.addf %mul3A_417, %add3A_419 : vector<1024x128xf32>
      %mul3A_421 = arith.mulf %div3A_397, %add3A_420 : vector<1024x128xf32>
      %gt3A_422 = arith.cmpf ogt, %max3A_384, %max3A_387 : vector<1024x128xf32>
      %sub3A_423 = arith.constant 1.57079637 : f32
      %sub3A_424 = vector.broadcast %sub3A_423 : f32 to vector<1024x128xf32>
      %sub3A_425 = arith.subf %sub3A_424, %mul3A_421 : vector<1024x128xf32>
      %select_n3A_426 = arith.select %gt3A_422, %sub3A_425, %mul3A_421 : vector<1024x128xi1>, vector<1024x128xf32>
      %sub3A_427 = arith.constant 3.14159274 : f32
      %sub3A_428 = vector.broadcast %sub3A_427 : f32 to vector<1024x128xf32>
      %sub3A_429 = arith.subf %sub3A_428, %select_n3A_426 : vector<1024x128xf32>
      %select_n3A_430 = arith.select %and3A_394, %sub3A_429, %select_n3A_426 : vector<1024x128xi1>, vector<1024x128xf32>
      %add3A_431 = arith.addf %sqrt3A_369, %select_n3A_430 : vector<1024x128xf32>
      %mul3A_432 = vector.broadcast %mul3A_365 : vector<1x128xf32> to vector<1024x128xf32>
      %mul3A_433 = arith.mulf %add3A_431, %mul3A_432 : vector<1024x128xf32>
      %get3A_434 = arith.index_cast %min3A_306 : i32 to index
      %get3A_435 = arith.constant 0 : index
      %get3A_436 = vector.load %arg6[%get3A_434, %get3A_435] : memref<64x128xi32, #tpu.memory_space<vmem>>, vector<1x128xi32>
      %eq3A_437 = vector.broadcast %get3A_436 : vector<1x128xi32> to vector<128x128xi32>
      %eq3A_438 = arith.cmpi eq, %iota3A_124, %eq3A_437 : vector<128x128xi32>
      %convert_element_type3A_439 = arith.extui %eq3A_438 : vector<128x128xi1> to vector<128x128xi32>
      %convert_element_type3A_440 = arith.sitofp %convert_element_type3A_439 : vector<128x128xi32> to vector<128x128xf32>
      %dot_general3A_441 = arith.constant dense<0.000000e+00> : vector<128x1024xf32>
      %dot_general3A_442 = tpu.matmul %convert_element_type3A_440, %mul3A_433, %dot_general3A_441 {dimension_numbers = #tpu.dot_dimension_numbers<[1], [1], [0], [0], [0, 0, 1, 0], [], []>, precision = #tpu.contract_precision<fp32>, transpose_lhs_hint = false} : vector<128x128xf32>, vector<1024x128xf32>, vector<128x1024xf32> -> vector<128x1024xf32>
      %add3A_443 = arith.addf %dot_general3A_302, %dot_general3A_442 : vector<128x1024xf32>
      %add3A_444 = arith.addf %get3A_172, %add3A_443 : vector<128x1024xf32>
      %swap3A = arith.constant 0 : index
      %swap3A_445 = arith.constant 0 : index
      %swap3A_446 = vector.load %arg10[%swap3A, %swap3A_445] : memref<128x1024xf32, #tpu.memory_space<vmem>>, vector<128x1024xf32>
      tpu.vector_store %arg10[%swap3A, %swap3A_445], %add3A_444 {strides = array<i32>} : memref<128x1024xf32, #tpu.memory_space<vmem>>, vector<128x1024xf32>,
    }
    %while3A_160 = arith.constant 1 : i32
    scf.for %while3A_166 = %while3A_158 to %while3A_154 step %while3A_160  : i32 {
      %mul3A_167 = arith.constant 2 : i32
      %mul3A_168 = arith.muli %mul3A_167, %while3A_166 : i32
      %add3A_169 = arith.addi %select_n3A_37, %mul3A_168 : i32
      %get3A_170 = arith.constant 0 : index
      %get3A_171 = arith.constant 0 : index
      %get3A_172 = vector.load %arg10[%get3A_170, %get3A_171] : memref<128x1024xf32, #tpu.memory_space<vmem>>, vector<128x1024xf32>
      %min3A = arith.constant 63 : i32
      %min3A_173 = arith.minsi %add3A_169, %min3A : i32
      %lt3A_174 = arith.cmpi slt, %add3A_169, %select_n3A_65 : i32
      %convert_element_type3A_175 = arith.extui %lt3A_174 : i1 to i32
      %convert_element_type3A_176 = arith.sitofp %convert_element_type3A_175 : i32 to f32
      %get3A_177 = arith.index_cast %min3A_173 : i32 to index
      %get3A_178 = arith.constant 0 : index
      %get3A_179 = vector.load %arg3[%get3A_177, %get3A_178] : memref<64x128xi32, #tpu.memory_space<vmem>>, vector<1x128xi32>
      %mul3A_180 = arith.constant 512 : i32
      %mul3A_181 = arith.muli %arg0, %mul3A_180 : i32
      %sub3A_182 = vector.broadcast %mul3A_181 : i32 to vector<1x128xi32>
      %sub3A_183 = arith.subi %get3A_179, %sub3A_182 : vector<1x128xi32>
      %ge3A = arith.constant 0 : i32
      %ge3A_184 = vector.broadcast %ge3A : i32 to vector<1x128xi32>
      %ge3A_185 = arith.cmpi sge, %sub3A_183, %ge3A_184 : vector<1x128xi32>
      %lt3A_186 = arith.constant 512 : i32
      %lt3A_187 = vector.broadcast %lt3A_186 : i32 to vector<1x128xi32>
      %lt3A_188 = arith.cmpi slt, %sub3A_183, %lt3A_187 : vector<1x128xi32>
      %and3A_189 = arith.andi %ge3A_185, %lt3A_188 : vector<1x128xi1>
      %eq3A_190 = vector.broadcast %sub3A_183 : vector<1x128xi32> to vector<1024x128xi32>
      %eq3A_191 = arith.cmpi eq, %select_n3A_97, %eq3A_190 : vector<1024x128xi32>
      %and3A_192 = arith.andi %eq3A_191, %eq3A_123 : vector<1024x128xi1>
      %convert_element_type3A_193 = arith.extui %and3A_192 : vector<1024x128xi1> to vector<1024x128xi32>
      %convert_element_type3A_194 = arith.sitofp %convert_element_type3A_193 : vector<1024x128xi32> to vector<1024x128xf32>
      %convert_element_type3A_195 = arith.truncf %convert_element_type3A_194 : vector<1024x128xf32> to vector<1024x128xbf16>
      %not3A = arith.constant dense<true> : vector<1024x128xi1>
      %not3A_196 = arith.xori %eq3A_123, %not3A : vector<1024x128xi1>
      %and3A_197 = arith.andi %eq3A_191, %not3A_196 : vector<1024x128xi1>
      %convert_element_type3A_198 = arith.extui %and3A_197 : vector<1024x128xi1> to vector<1024x128xi32>
      %convert_element_type3A_199 = arith.sitofp %convert_element_type3A_198 : vector<1024x128xi32> to vector<1024x128xf32>
      %convert_element_type3A_200 = arith.truncf %convert_element_type3A_199 : vector<1024x128xf32> to vector<1024x128xbf16>
      %dot_general3A = arith.constant dense<0.000000e+00> : vector<1024x128xf32>
      %dot_general3A_201 = tpu.matmul %convert_element_type3A_7, %convert_element_type3A_195, %dot_general3A {dimension_numbers = #tpu.dot_dimension_numbers<[1], [0], [0], [1], [0, 0, 1, 1], [], []>, transpose_lhs_hint = false} : vector<1024x1024xbf16>, vector<1024x128xbf16>, vector<1024x128xf32> -> vector<1024x128xf32>
      %dot_general3A_202 = arith.constant dense<0.000000e+00> : vector<1024x128xf32>
      %dot_general3A_203 = tpu.matmul %convert_element_type3A_10, %convert_element_type3A_195, %dot_general3A_202 {dimension_numbers = #tpu.dot_dimension_numbers<[1], [0], [0], [1], [0, 0, 1, 1], [], []>, transpose_lhs_hint = false} : vector<1024x1024xbf16>, vector<1024x128xbf16>, vector<1024x128xf32> -> vector<1024x128xf32>
      %add3A_204 = arith.addf %dot_general3A_201, %dot_general3A_203 : vector<1024x128xf32>
      %dot_general3A_205 = arith.constant dense<0.000000e+00> : vector<1024x128xf32>
      %dot_general3A_206 = tpu.matmul %convert_element_type3A_13, %convert_element_type3A_195, %dot_general3A_205 {dimension_numbers = #tpu.dot_dimension_numbers<[1], [0], [0], [1], [0, 0, 1, 1], [], []>, transpose_lhs_hint = false} : vector<1024x1024xbf16>, vector<1024x128xbf16>, vector<1024x128xf32> -> vector<1024x128xf32>
      %add3A_207 = arith.addf %add3A_204, %dot_general3A_206 : vector<1024x128xf32>
      %dot_general3A_208 = arith.constant dense<0.000000e+00> : vector<1024x128xf32>
      %dot_general3A_209 = tpu.matmul %convert_element_type3A_7, %convert_element_type3A_200, %dot_general3A_208 {dimension_numbers = #tpu.dot_dimension_numbers<[1], [0], [0], [1], [0, 0, 1, 1], [], []>, transpose_lhs_hint = false} : vector<1024x1024xbf16>, vector<1024x128xbf16>, vector<1024x128xf32> -> vector<1024x128xf32>
      %dot_general3A_210 = arith.constant dense<0.000000e+00> : vector<1024x128xf32>
      %dot_general3A_211 = tpu.matmul %convert_element_type3A_10, %convert_element_type3A_200, %dot_general3A_210 {dimension_numbers = #tpu.dot_dimension_numbers<[1], [0], [0], [1], [0, 0, 1, 1], [], []>, transpose_lhs_hint = false} : vector<1024x1024xbf16>, vector<1024x128xbf16>, vector<1024x128xf32> -> vector<1024x128xf32>
      %add3A_212 = arith.addf %dot_general3A_209, %dot_general3A_211 : vector<1024x128xf32>
      %dot_general3A_213 = arith.constant dense<0.000000e+00> : vector<1024x128xf32>
      %dot_general3A_214 = tpu.matmul %convert_element_type3A_13, %convert_element_type3A_200, %dot_general3A_213 {dimension_numbers = #tpu.dot_dimension_numbers<[1], [0], [0], [1], [0, 0, 1, 1], [], []>, transpose_lhs_hint = false} : vector<1024x1024xbf16>, vector<1024x128xbf16>, vector<1024x128xf32> -> vector<1024x128xf32>
      %add3A_215 = arith.addf %add3A_212, %dot_general3A_214 : vector<1024x128xf32>
      %get3A_216 = arith.index_cast %min3A_173 : i32 to index
      %get3A_217 = arith.constant 0 : index
      %get3A_218 = vector.load %arg11[%get3A_216, %get3A_217] : memref<64x128xf32, #tpu.memory_space<vmem>>, vector<1x128xf32>
      %get3A_219 = arith.index_cast %min3A_173 : i32 to index
      %get3A_220 = arith.constant 0 : index
      %get3A_221 = vector.load %arg12[%get3A_219, %get3A_220] : memref<64x128xf32, #tpu.memory_space<vmem>>, vector<1x128xf32>
      %get3A_222 = arith.index_cast %min3A_173 : i32 to index
      %get3A_223 = arith.constant 0 : index
      %get3A_224 = vector.load %arg5[%get3A_222, %get3A_223] : memref<64x128xf32, #tpu.memory_space<vmem>>, vector<1x128xf32>
      %convert_element_type3A_225 = arith.extui %and3A_189 : vector<1x128xi1> to vector<1x128xi32>
      %convert_element_type3A_226 = arith.sitofp %convert_element_type3A_225 : vector<1x128xi32> to vector<1x128xf32>
      %mul3A_227 = arith.mulf %get3A_224, %convert_element_type3A_226 : vector<1x128xf32>
      %mul3A_228 = vector.broadcast %convert_element_type3A_176 : f32 to vector<1x128xf32>
      %mul3A_229 = arith.mulf %mul3A_227, %mul3A_228 : vector<1x128xf32>
      %mul3A_230 = arith.mulf %add3A_207, %add3A_207 : vector<1024x128xf32>
      %mul3A_231 = arith.mulf %add3A_215, %add3A_215 : vector<1024x128xf32>
      %add3A_232 = arith.addf %mul3A_230, %mul3A_231 : vector<1024x128xf32>
      %sqrt3A = math.sqrt %add3A_232 : vector<1024x128xf32>
      %mul3A_233 = vector.broadcast %get3A_218 : vector<1x128xf32> to vector<1024x128xf32>
      %mul3A_234 = arith.mulf %add3A_207, %mul3A_233 : vector<1024x128xf32>
      %mul3A_235 = vector.broadcast %get3A_221 : vector<1x128xf32> to vector<1024x128xf32>
      %mul3A_236 = arith.mulf %add3A_215, %mul3A_235 : vector<1024x128xf32>
      %add3A_237 = arith.addf %mul3A_234, %mul3A_236 : vector<1024x128xf32>
      %mul3A_238 = vector.broadcast %get3A_218 : vector<1x128xf32> to vector<1024x128xf32>
      %mul3A_239 = arith.mulf %add3A_215, %mul3A_238 : vector<1024x128xf32>
      %mul3A_240 = vector.broadcast %get3A_221 : vector<1x128xf32> to vector<1024x128xf32>
      %mul3A_241 = arith.mulf %add3A_207, %mul3A_240 : vector<1024x128xf32>
      %sub3A_242 = arith.subf %mul3A_239, %mul3A_241 : vector<1024x128xf32>
      %abs3A = math.absf %add3A_237 : vector<1024x128xf32>
      %abs3A_243 = math.absf %sub3A_242 : vector<1024x128xf32>
      %max3A = arith.constant 1.000000e-10 : f32
      %max3A_244 = vector.broadcast %max3A : f32 to vector<1024x128xf32>
      %max3A_245 = arith.maximumf %abs3A_243, %max3A_244 : vector<1024x128xf32>
      %max3A_246 = arith.constant 1.000000e-10 : f32
      %max3A_247 = vector.broadcast %max3A_246 : f32 to vector<1024x128xf32>
      %max3A_248 = arith.maximumf %abs3A, %max3A_247 : vector<1024x128xf32>
      %lt3A_249 = arith.constant 0.000000e+00 : f32
      %lt3A_250 = vector.broadcast %lt3A_249 : f32 to vector<1024x128xf32>
      %lt3A_251 = arith.cmpf olt, %add3A_237, %lt3A_250 : vector<1024x128xf32>
      %ge3A_252 = arith.constant 1.000000e-10 : f32
      %ge3A_253 = vector.broadcast %ge3A_252 : f32 to vector<1024x128xf32>
      %ge3A_254 = arith.cmpf oge, %abs3A, %ge3A_253 : vector<1024x128xf32>
      %and3A_255 = arith.andi %lt3A_251, %ge3A_254 : vector<1024x128xi1>
      %min3A_256 = arith.minimumf %max3A_248, %max3A_245 : vector<1024x128xf32>
      %max3A_257 = arith.maximumf %max3A_248, %max3A_245 : vector<1024x128xf32>
      %div3A_258 = arith.divf %min3A_256, %max3A_257 : vector<1024x128xf32>
      %mul3A_259 = arith.mulf %div3A_258, %div3A_258 : vector<1024x128xf32>
      %mul3A_260 = arith.constant -1.172120e-02 : f32
      %mul3A_261 = vector.broadcast %mul3A_260 : f32 to vector<1024x128xf32>
      %mul3A_262 = arith.mulf %mul3A_261, %mul3A_259 : vector<1024x128xf32>
      %add3A_263 = arith.constant 0.0526533201 : f32
      %add3A_264 = vector.broadcast %add3A_263 : f32 to vector<1024x128xf32>
      %add3A_265 = arith.addf %mul3A_262, %add3A_264 : vector<1024x128xf32>
      %mul3A_266 = arith.mulf %add3A_265, %mul3A_259 : vector<1024x128xf32>
      %add3A_267 = arith.constant -0.116432868 : f32
      %add3A_268 = vector.broadcast %add3A_267 : f32 to vector<1024x128xf32>
      %add3A_269 = arith.addf %mul3A_266, %add3A_268 : vector<1024x128xf32>
      %mul3A_270 = arith.mulf %add3A_269, %mul3A_259 : vector<1024x128xf32>
      %add3A_271 = arith.constant 0.193543464 : f32
      %add3A_272 = vector.broadcast %add3A_271 : f32 to vector<1024x128xf32>
      %add3A_273 = arith.addf %mul3A_270, %add3A_272 : vector<1024x128xf32>
      %mul3A_274 = arith.mulf %add3A_273, %mul3A_259 : vector<1024x128xf32>
      %add3A_275 = arith.constant -0.332623482 : f32
      %add3A_276 = vector.broadcast %add3A_275 : f32 to vector<1024x128xf32>
      %add3A_277 = arith.addf %mul3A_274, %add3A_276 : vector<1024x128xf32>
      %mul3A_278 = arith.mulf %add3A_277, %mul3A_259 : vector<1024x128xf32>
      %add3A_279 = arith.constant 0.999977231 : f32
      %add3A_280 = vector.broadcast %add3A_279 : f32 to vector<1024x128xf32>
      %add3A_281 = arith.addf %mul3A_278, %add3A_280 : vector<1024x128xf32>
      %mul3A_282 = arith.mulf %div3A_258, %add3A_281 : vector<1024x128xf32>
      %gt3A = arith.cmpf ogt, %max3A_245, %max3A_248 : vector<1024x128xf32>
      %sub3A_283 = arith.constant 1.57079637 : f32
      %sub3A_284 = vector.broadcast %sub3A_283 : f32 to vector<1024x128xf32>
      %sub3A_285 = arith.subf %sub3A_284, %mul3A_282 : vector<1024x128xf32>
      %select_n3A_286 = arith.select %gt3A, %sub3A_285, %mul3A_282 : vector<1024x128xi1>, vector<1024x128xf32>
      %sub3A_287 = arith.constant 3.14159274 : f32
      %sub3A_288 = vector.broadcast %sub3A_287 : f32 to vector<1024x128xf32>
      %sub3A_289 = arith.subf %sub3A_288, %select_n3A_286 : vector<1024x128xf32>
      %select_n3A_290 = arith.select %and3A_255, %sub3A_289, %select_n3A_286 : vector<1024x128xi1>, vector<1024x128xf32>
      %add3A_291 = arith.addf %sqrt3A, %select_n3A_290 : vector<1024x128xf32>
      %mul3A_292 = vector.broadcast %mul3A_229 : vector<1x128xf32> to vector<1024x128xf32>
      %mul3A_293 = arith.mulf %add3A_291, %mul3A_292 : vector<1024x128xf32>
      %get3A_294 = arith.index_cast %min3A_173 : i32 to index
      %get3A_295 = arith.constant 0 : index
      %get3A_296 = vector.load %arg6[%get3A_294, %get3A_295] : memref<64x128xi32, #tpu.memory_space<vmem>>, vector<1x128xi32>
      %eq3A_297 = vector.broadcast %get3A_296 : vector<1x128xi32> to vector<128x128xi32>
      %eq3A_298 = arith.cmpi eq, %iota3A_124, %eq3A_297 : vector<128x128xi32>
      %convert_element_type3A_299 = arith.extui %eq3A_298 : vector<128x128xi1> to vector<128x128xi32>
      %convert_element_type3A_300 = arith.sitofp %convert_element_type3A_299 : vector<128x128xi32> to vector<128x128xf32>
      %dot_general3A_301 = arith.constant dense<0.000000e+00> : vector<128x1024xf32>
      %dot_general3A_302 = tpu.matmul %convert_element_type3A_300, %mul3A_293, %dot_general3A_301 {dimension_numbers = #tpu.dot_dimension_numbers<[1], [1], [0], [0], [0, 0, 1, 0], [], []>, precision = #tpu.contract_precision<fp32>, transpose_lhs_hint = false} : vector<128x128xf32>, vector<1024x128xf32>, vector<128x1024xf32> -> vector<128x1024xf32>
      %add3A_303 = arith.constant 1 : i32
      %add3A_304 = arith.addi %add3A_169, %add3A_303 : i32
      %min3A_305 = arith.constant 63 : i32
      %min3A_306 = arith.minsi %add3A_304, %min3A_305 : i32
      %lt3A_307 = arith.cmpi slt, %add3A_304, %select_n3A_65 : i32
      %convert_element_type3A_308 = arith.extui %lt3A_307 : i1 to i32
      %convert_element_type3A_309 = arith.sitofp %convert_element_type3A_308 : i32 to f32
      %get3A_310 = arith.index_cast %min3A_306 : i32 to index
      %get3A_311 = arith.constant 0 : index
      %get3A_312 = vector.load %arg3[%get3A_310, %get3A_311] : memref<64x128xi32, #tpu.memory_space<vmem>>, vector<1x128xi32>
      %mul3A_313 = arith.constant 512 : i32
      %mul3A_314 = arith.muli %arg0, %mul3A_313 : i32
      %sub3A_315 = vector.broadcast %mul3A_314 : i32 to vector<1x128xi32>
      %sub3A_316 = arith.subi %get3A_312, %sub3A_315 : vector<1x128xi32>
      %ge3A_317 = arith.constant 0 : i32
      %ge3A_318 = vector.broadcast %ge3A_317 : i32 to vector<1x128xi32>
      %ge3A_319 = arith.cmpi sge, %sub3A_316, %ge3A_318 : vector<1x128xi32>
      %lt3A_320 = arith.constant 512 : i32
      %lt3A_321 = vector.broadcast %lt3A_320 : i32 to vector<1x128xi32>
      %lt3A_322 = arith.cmpi slt, %sub3A_316, %lt3A_321 : vector<1x128xi32>
      %and3A_323 = arith.andi %ge3A_319, %lt3A_322 : vector<1x128xi1>
      %eq3A_324 = vector.broadcast %sub3A_316 : vector<1x128xi32> to vector<1024x128xi32>
      %eq3A_325 = arith.cmpi eq, %select_n3A_97, %eq3A_324 : vector<1024x128xi32>
      %and3A_326 = arith.andi %eq3A_325, %eq3A_123 : vector<1024x128xi1>
      %convert_element_type3A_327 = arith.extui %and3A_326 : vector<1024x128xi1> to vector<1024x128xi32>
      %convert_element_type3A_328 = arith.sitofp %convert_element_type3A_327 : vector<1024x128xi32> to vector<1024x128xf32>
      %convert_element_type3A_329 = arith.truncf %convert_element_type3A_328 : vector<1024x128xf32> to vector<1024x128xbf16>
      %not3A_330 = arith.constant dense<true> : vector<1024x128xi1>
      %not3A_331 = arith.xori %eq3A_123, %not3A_330 : vector<1024x128xi1>
      %and3A_332 = arith.andi %eq3A_325, %not3A_331 : vector<1024x128xi1>
      %convert_element_type3A_333 = arith.extui %and3A_332 : vector<1024x128xi1> to vector<1024x128xi32>
      %convert_element_type3A_334 = arith.sitofp %convert_element_type3A_333 : vector<1024x128xi32> to vector<1024x128xf32>
      %convert_element_type3A_335 = arith.truncf %convert_element_type3A_334 : vector<1024x128xf32> to vector<1024x128xbf16>
      %dot_general3A_336 = arith.constant dense<0.000000e+00> : vector<1024x128xf32>
      %dot_general3A_337 = tpu.matmul %convert_element_type3A_7, %convert_element_type3A_329, %dot_general3A_336 {dimension_numbers = #tpu.dot_dimension_numbers<[1], [0], [0], [1], [0, 0, 1, 1], [], []>, transpose_lhs_hint = false} : vector<1024x1024xbf16>, vector<1024x128xbf16>, vector<1024x128xf32> -> vector<1024x128xf32>
      %dot_general3A_338 = arith.constant dense<0.000000e+00> : vector<1024x128xf32>
      %dot_general3A_339 = tpu.matmul %convert_element_type3A_10, %convert_element_type3A_329, %dot_general3A_338 {dimension_numbers = #tpu.dot_dimension_numbers<[1], [0], [0], [1], [0, 0, 1, 1], [], []>, transpose_lhs_hint = false} : vector<1024x1024xbf16>, vector<1024x128xbf16>, vector<1024x128xf32> -> vector<1024x128xf32>
      %add3A_340 = arith.addf %dot_general3A_337, %dot_general3A_339 : vector<1024x128xf32>
      %dot_general3A_341 = arith.constant dense<0.000000e+00> : vector<1024x128xf32>
      %dot_general3A_342 = tpu.matmul %convert_element_type3A_13, %convert_element_type3A_329, %dot_general3A_341 {dimension_numbers = #tpu.dot_dimension_numbers<[1], [0], [0], [1], [0, 0, 1, 1], [], []>, transpose_lhs_hint = false} : vector<1024x1024xbf16>, vector<1024x128xbf16>, vector<1024x128xf32> -> vector<1024x128xf32>
      %add3A_343 = arith.addf %add3A_340, %dot_general3A_342 : vector<1024x128xf32>
      %dot_general3A_344 = arith.constant dense<0.000000e+00> : vector<1024x128xf32>
      %dot_general3A_345 = tpu.matmul %convert_element_type3A_7, %convert_element_type3A_335, %dot_general3A_344 {dimension_numbers = #tpu.dot_dimension_numbers<[1], [0], [0], [1], [0, 0, 1, 1], [], []>, transpose_lhs_hint = false} : vector<1024x1024xbf16>, vector<1024x128xbf16>, vector<1024x128xf32> -> vector<1024x128xf32>
      %dot_general3A_346 = arith.constant dense<0.000000e+00> : vector<1024x128xf32>
      %dot_general3A_347 = tpu.matmul %convert_element_type3A_10, %convert_element_type3A_335, %dot_general3A_346 {dimension_numbers = #tpu.dot_dimension_numbers<[1], [0], [0], [1], [0, 0, 1, 1], [], []>, transpose_lhs_hint = false} : vector<1024x1024xbf16>, vector<1024x128xbf16>, vector<1024x128xf32> -> vector<1024x128xf32>
      %add3A_348 = arith.addf %dot_general3A_345, %dot_general3A_347 : vector<1024x128xf32>
      %dot_general3A_349 = arith.constant dense<0.000000e+00> : vector<1024x128xf32>
      %dot_general3A_350 = tpu.matmul %convert_element_type3A_13, %convert_element_type3A_335, %dot_general3A_349 {dimension_numbers = #tpu.dot_dimension_numbers<[1], [0], [0], [1], [0, 0, 1, 1], [], []>, transpose_lhs_hint = false} : vector<1024x1024xbf16>, vector<1024x128xbf16>, vector<1024x128xf32> -> vector<1024x128xf32>
      %add3A_351 = arith.addf %add3A_348, %dot_general3A_350 : vector<1024x128xf32>
      %get3A_352 = arith.index_cast %min3A_306 : i32 to index
      %get3A_353 = arith.constant 0 : index
      %get3A_354 = vector.load %arg11[%get3A_352, %get3A_353] : memref<64x128xf32, #tpu.memory_space<vmem>>, vector<1x128xf32>
      %get3A_355 = arith.index_cast %min3A_306 : i32 to index
      %get3A_356 = arith.constant 0 : index
      %get3A_357 = vector.load %arg12[%get3A_355, %get3A_356] : memref<64x128xf32, #tpu.memory_space<vmem>>, vector<1x128xf32>
      %get3A_358 = arith.index_cast %min3A_306 : i32 to index
      %get3A_359 = arith.constant 0 : index
      %get3A_360 = vector.load %arg5[%get3A_358, %get3A_359] : memref<64x128xf32, #tpu.memory_space<vmem>>, vector<1x128xf32>
      %convert_element_type3A_361 = arith.extui %and3A_323 : vector<1x128xi1> to vector<1x128xi32>
      %convert_element_type3A_362 = arith.sitofp %convert_element_type3A_361 : vector<1x128xi32> to vector<1x128xf32>
      %mul3A_363 = arith.mulf %get3A_360, %convert_element_type3A_362 : vector<1x128xf32>
      %mul3A_364 = vector.broadcast %convert_element_type3A_309 : f32 to vector<1x128xf32>
      %mul3A_365 = arith.mulf %mul3A_363, %mul3A_364 : vector<1x128xf32>
      %mul3A_366 = arith.mulf %add3A_343, %add3A_343 : vector<1024x128xf32>
      %mul3A_367 = arith.mulf %add3A_351, %add3A_351 : vector<1024x128xf32>
      %add3A_368 = arith.addf %mul3A_366, %mul3A_367 : vector<1024x128xf32>
      %sqrt3A_369 = math.sqrt %add3A_368 : vector<1024x128xf32>
      %mul3A_370 = vector.broadcast %get3A_354 : vector<1x128xf32> to vector<1024x128xf32>
      %mul3A_371 = arith.mulf %add3A_343, %mul3A_370 : vector<1024x128xf32>
      %mul3A_372 = vector.broadcast %get3A_357 : vector<1x128xf32> to vector<1024x128xf32>
      %mul3A_373 = arith.mulf %add3A_351, %mul3A_372 : vector<1024x128xf32>
      %add3A_374 = arith.addf %mul3A_371, %mul3A_373 : vector<1024x128xf32>
      %mul3A_375 = vector.broadcast %get3A_354 : vector<1x128xf32> to vector<1024x128xf32>
      %mul3A_376 = arith.mulf %add3A_351, %mul3A_375 : vector<1024x128xf32>
      %mul3A_377 = vector.broadcast %get3A_357 : vector<1x128xf32> to vector<1024x128xf32>
      %mul3A_378 = arith.mulf %add3A_343, %mul3A_377 : vector<1024x128xf32>
      %sub3A_379 = arith.subf %mul3A_376, %mul3A_378 : vector<1024x128xf32>
      %abs3A_380 = math.absf %add3A_374 : vector<1024x128xf32>
      %abs3A_381 = math.absf %sub3A_379 : vector<1024x128xf32>
      %max3A_382 = arith.constant 1.000000e-10 : f32
      %max3A_383 = vector.broadcast %max3A_382 : f32 to vector<1024x128xf32>
      %max3A_384 = arith.maximumf %abs3A_381, %max3A_383 : vector<1024x128xf32>
      %max3A_385 = arith.constant 1.000000e-10 : f32
      %max3A_386 = vector.broadcast %max3A_385 : f32 to vector<1024x128xf32>
      %max3A_387 = arith.maximumf %abs3A_380, %max3A_386 : vector<1024x128xf32>
      %lt3A_388 = arith.constant 0.000000e+00 : f32
      %lt3A_389 = vector.broadcast %lt3A_388 : f32 to vector<1024x128xf32>
      %lt3A_390 = arith.cmpf olt, %add3A_374, %lt3A_389 : vector<1024x128xf32>
      %ge3A_391 = arith.constant 1.000000e-10 : f32
      %ge3A_392 = vector.broadcast %ge3A_391 : f32 to vector<1024x128xf32>
      %ge3A_393 = arith.cmpf oge, %abs3A_380, %ge3A_392 : vector<1024x128xf32>
      %and3A_394 = arith.andi %lt3A_390, %ge3A_393 : vector<1024x128xi1>
      %min3A_395 = arith.minimumf %max3A_387, %max3A_384 : vector<1024x128xf32>
      %max3A_396 = arith.maximumf %max3A_387, %max3A_384 : vector<1024x128xf32>
      %div3A_397 = arith.divf %min3A_395, %max3A_396 : vector<1024x128xf32>
      %mul3A_398 = arith.mulf %div3A_397, %div3A_397 : vector<1024x128xf32>
      %mul3A_399 = arith.constant -1.172120e-02 : f32
      %mul3A_400 = vector.broadcast %mul3A_399 : f32 to vector<1024x128xf32>
      %mul3A_401 = arith.mulf %mul3A_400, %mul3A_398 : vector<1024x128xf32>
      %add3A_402 = arith.constant 0.0526533201 : f32
      %add3A_403 = vector.broadcast %add3A_402 : f32 to vector<1024x128xf32>
      %add3A_404 = arith.addf %mul3A_401, %add3A_403 : vector<1024x128xf32>
      %mul3A_405 = arith.mulf %add3A_404, %mul3A_398 : vector<1024x128xf32>
      %add3A_406 = arith.constant -0.116432868 : f32
      %add3A_407 = vector.broadcast %add3A_406 : f32 to vector<1024x128xf32>
      %add3A_408 = arith.addf %mul3A_405, %add3A_407 : vector<1024x128xf32>
      %mul3A_409 = arith.mulf %add3A_408, %mul3A_398 : vector<1024x128xf32>
      %add3A_410 = arith.constant 0.193543464 : f32
      %add3A_411 = vector.broadcast %add3A_410 : f32 to vector<1024x128xf32>
      %add3A_412 = arith.addf %mul3A_409, %add3A_411 : vector<1024x128xf32>
      %mul3A_413 = arith.mulf %add3A_412, %mul3A_398 : vector<1024x128xf32>
      %add3A_414 = arith.constant -0.332623482 : f32
      %add3A_415 = vector.broadcast %add3A_414 : f32 to vector<1024x128xf32>
      %add3A_416 = arith.addf %mul3A_413, %add3A_415 : vector<1024x128xf32>
      %mul3A_417 = arith.mulf %add3A_416, %mul3A_398 : vector<1024x128xf32>
      %add3A_418 = arith.constant 0.999977231 : f32
      %add3A_419 = vector.broadcast %add3A_418 : f32 to vector<1024x128xf32>
      %add3A_420 = arith.addf %mul3A_417, %add3A_419 : vector<1024x128xf32>
      %mul3A_421 = arith.mulf %div3A_397, %add3A_420 : vector<1024x128xf32>
      %gt3A_422 = arith.cmpf ogt, %max3A_384, %max3A_387 : vector<1024x128xf32>
      %sub3A_423 = arith.constant 1.57079637 : f32
      %sub3A_424 = vector.broadcast %sub3A_423 : f32 to vector<1024x128xf32>
      %sub3A_425 = arith.subf %sub3A_424, %mul3A_421 : vector<1024x128xf32>
      %select_n3A_426 = arith.select %gt3A_422, %sub3A_425, %mul3A_421 : vector<1024x128xi1>, vector<1024x128xf32>
      %sub3A_427 = arith.constant 3.14159274 : f32
      %sub3A_428 = vector.broadcast %sub3A_427 : f32 to vector<1024x128xf32>
      %sub3A_429 = arith.subf %sub3A_428, %select_n3A_426 : vector<1024x128xf32>
      %select_n3A_430 = arith.select %and3A_394, %sub3A_429, %select_n3A_426 : vector<1024x128xi1>, vector<1024x128xf32>
      %add3A_431 = arith.addf %sqrt3A_369, %select_n3A_430 : vector<1024x128xf32>
      %mul3A_432 = vector.broadcast %mul3A_365 : vector<1x128xf32> to vector<1024x128xf32>
      %mul3A_433 = arith.mulf %add3A_431, %mul3A_432 : vector<1024x128xf32>
      %get3A_434 = arith.index_cast %min3A_306 : i32 to index
      %get3A_435 = arith.constant 0 : index
      %get3A_436 = vector.load %arg6[%get3A_434, %get3A_435] : memref<64x128xi32, #tpu.memory_space<vmem>>, vector<1x128xi32>
      %eq3A_437 = vector.broadcast %get3A_436 : vector<1x128xi32> to vector<128x128xi32>
      %eq3A_438 = arith.cmpi eq, %iota3A_124, %eq3A_437 : vector<128x128xi32>
      %convert_element_type3A_439 = arith.extui %eq3A_438 : vector<128x128xi1> to vector<128x128xi32>
      %convert_element_type3A_440 = arith.sitofp %convert_element_type3A_439 : vector<128x128xi32> to vector<128x128xf32>
      %dot_general3A_441 = arith.constant dense<0.000000e+00> : vector<128x1024xf32>
      %dot_general3A_442 = tpu.matmul %convert_element_type3A_440, %mul3A_433, %dot_general3A_441 {dimension_numbers = #tpu.dot_dimension_numbers<[1], [1], [0], [0], [0, 0, 1, 0], [], []>, precision = #tpu.contract_precision<fp32>, transpose_lhs_hint = false} : vector<128x128xf32>, vector<1024x128xf32>, vector<128x1024xf32> -> vector<128x1024xf32>
      %add3A_443 = arith.addf %dot_general3A_302, %dot_general3A_442 : vector<128x1024xf32>
      %add3A_444 = arith.addf %get3A_172, %add3A_443 : vector<128x1024xf32>
      %swap3A = arith.constant 0 : index
      %swap3A_445 = arith.constant 0 : index
      %swap3A_446 = vector.load %arg10[%swap3A, %swap3A_445] : memref<128x1024xf32, #tpu.memory_space<vmem>>, vector<128x1024xf32>
      tpu.vector_store %arg10[%swap3A, %swap3A_445], %add3A_444 {strides = array<i32>} : memref<128x1024xf32, #tpu.memory_space<vmem>>, vector<128x1024xf32>,
    }
    %eq3A_161 = arith.constant 59 : i32
    %eq3A_162 = arith.cmpi eq, %arg0, %eq3A_161 : i32
    %convert_element_type3A_163 = arith.extui %eq3A_162 : i1 to i32
    %cond3A_164 = arith.constant 0 : i32
    %cond3A_165 = arith.cmpi ne, %convert_element_type3A_163, %cond3A_164 : i32
    scf.if %cond3A_165 {
      %get3A_166 = arith.constant 0 : index
      %get3A_167 = arith.constant 0 : index
      %get3A_168 = vector.load %arg10[%get3A_166, %get3A_167] : memref<128x1024xf32, #tpu.memory_space<vmem>>, vector<128x1024xf32>
      %iota3A_169 = tpu.iota {dimensions = array<i32: 1>} : vector<128x1024xi32>
      %broadcast_in_dim3A_170 = arith.constant 0.000000e+00 : f32
      %broadcast_in_dim3A_171 = vector.broadcast %broadcast_in_dim3A_170 : f32 to vector<128x1024xf32>
      %swap3A = arith.constant 0 : index
      %swap3A_172 = arith.constant 0 : index
      %swap3A_173 = vector.load %arg13[%swap3A, %swap3A_172] : memref<128x1024xf32, #tpu.memory_space<vmem>>, vector<128x1024xf32>
      tpu.vector_store %arg13[%swap3A, %swap3A_172], %broadcast_in_dim3A_171 {strides = array<i32>} : memref<128x1024xf32, #tpu.memory_space<vmem>>, vector<128x1024xf32>,
      %scan3A = arith.constant 0 : i32
      %scan3A_174 = arith.constant 32 : i32
      %scan3A_175 = arith.addi %scan3A, %scan3A_174 : i32
      %scan3A_176 = arith.constant 1 : i32
      scf.for %scan3A_192 = %scan3A to %scan3A_175 step %scan3A_176  : i32 {
        %get3A_193 = arith.constant 0 : index
        %get3A_194 = arith.constant 0 : index
        %get3A_195 = vector.load %arg13[%get3A_193, %get3A_194] : memref<128x1024xf32, #tpu.memory_space<vmem>>, vector<128x1024xf32>
        %gt3A = arith.constant 0.000000e+00 : f32
        %gt3A_196 = vector.broadcast %gt3A : f32 to vector<128x1024xf32>
        %gt3A_197 = arith.cmpf ogt, %get3A_195, %gt3A_196 : vector<128x1024xf32>
        %jit3A_198 = arith.constant -1.000000e+00 : f32
        %broadcast_in_dim3A_199 = vector.broadcast %jit3A_198 : f32 to vector<128x1024xf32>
        %select_n3A_200 = arith.select %gt3A_197, %broadcast_in_dim3A_199, %get3A_168 : vector<128x1024xi1>, vector<128x1024xf32>
        %reduce_max3A = arith.constant dense<0xFF800000> : vector<128xf32>
        %reduce_max3A_201 = vector.multi_reduction <maximumf>, %select_n3A_200, %reduce_max3A [1] : vector<128x1024xf32> to vector<128xf32>
        %broadcast_in_dim3A_202 = vector.shape_cast %reduce_max3A_201 : vector<128xf32> to vector<128x1xf32>
        %eq3A_203 = vector.broadcast %broadcast_in_dim3A_202 : vector<128x1xf32> to vector<128x1024xf32>
        %eq3A_204 = arith.cmpf oeq, %select_n3A_200, %eq3A_203 : vector<128x1024xf32>
        %jit3A_205 = arith.constant 2048 : i32
        %broadcast_in_dim3A_206 = vector.broadcast %jit3A_205 : i32 to vector<128x1024xi32>
        %select_n3A_207 = arith.select %eq3A_204, %iota3A_169, %broadcast_in_dim3A_206 : vector<128x1024xi1>, vector<128x1024xi32>
        %reduce_min3A = arith.constant dense<2147483647> : vector<128xi32>
        %reduce_min3A_208 = vector.multi_reduction <minsi>, %select_n3A_207, %reduce_min3A [1] : vector<128x1024xi32> to vector<128xi32>
        %broadcast_in_dim3A_209 = vector.shape_cast %reduce_min3A_208 : vector<128xi32> to vector<128x1xi32>
        %eq3A_210 = vector.broadcast %broadcast_in_dim3A_209 : vector<128x1xi32> to vector<128x1024xi32>
        %eq3A_211 = arith.cmpi eq, %iota3A_169, %eq3A_210 : vector<128x1024xi32>
        %get3A_212 = arith.constant 0 : index
        %get3A_213 = arith.constant 0 : index
        %get3A_214 = vector.load %arg13[%get3A_212, %get3A_213] : memref<128x1024xf32, #tpu.memory_space<vmem>>, vector<128x1024xf32>
        %jit3A_215 = arith.constant 1.000000e+00 : f32
        %broadcast_in_dim3A_216 = vector.broadcast %jit3A_215 : f32 to vector<128x1024xf32>
        %select_n3A_217 = arith.select %eq3A_211, %broadcast_in_dim3A_216, %get3A_214 : vector<128x1024xi1>, vector<128x1024xf32>
        %swap3A_218 = arith.constant 0 : index
        %swap3A_219 = arith.constant 0 : index
        %swap3A_220 = vector.load %arg13[%swap3A_218, %swap3A_219] : memref<128x1024xf32, #tpu.memory_space<vmem>>, vector<128x1024xf32>
        tpu.vector_store %arg13[%swap3A_218, %swap3A_219], %select_n3A_217 {strides = array<i32>} : memref<128x1024xf32, #tpu.memory_space<vmem>>, vector<128x1024xf32>,
      }
      %get3A_177 = arith.constant 0 : index
      %get3A_178 = arith.constant 0 : index
      %get3A_179 = vector.load %arg13[%get3A_177, %get3A_178] : memref<128x1024xf32, #tpu.memory_space<vmem>>, vector<128x1024xf32>
      %get3A_180 = arith.constant 0 : index
      %get3A_181 = arith.constant 0 : index
      %get3A_182 = vector.load %arg7[%get3A_180, %get3A_181] : memref<18x1024xf32, #tpu.memory_space<vmem>>, vector<18x1024xf32>
      %dot_general3A = arith.constant dense<0.000000e+00> : vector<128x18xf32>
      %dot_general3A_183 = tpu.matmul %get3A_179, %get3A_182, %dot_general3A {dimension_numbers = #tpu.dot_dimension_numbers<[1], [1], [0], [0], [0, 0, 1, 0], [], []>, precision = #tpu.contract_precision<fp32>, transpose_lhs_hint = false} : vector<128x1024xf32>, vector<18x1024xf32>, vector<128x18xf32> -> vector<128x18xf32>
      %get3A_184 = arith.constant 0 : index
      %get3A_185 = arith.constant 0 : index
      %get3A_186 = vector.load %arg8[%get3A_184, %get3A_185] : memref<1x18xf32, #tpu.memory_space<vmem>>, vector<1x18xf32>
      %add3A_187 = vector.broadcast %get3A_186 : vector<1x18xf32> to vector<128x18xf32>
      %add3A_188 = arith.addf %dot_general3A_183, %add3A_187 : vector<128x18xf32>
      %swap3A_189 = arith.constant 0 : index
      %swap3A_190 = arith.constant 0 : index
      %swap3A_191 = vector.load %arg9[%swap3A_189, %swap3A_190] : memref<128x18xf32, #tpu.memory_space<vmem>>, vector<128x18xf32>
      tpu.vector_store %arg9[%swap3A_189, %swap3A_190], %add3A_188 {strides = array<i32>} : memref<128x18xf32, #tpu.memory_space<vmem>>, vector<128x18xf32>,
    } else {
    }
    return
  }
  func.func @transform_0(%arg0: i32, %arg1: memref<61xi32, #tpu.memory_space<smem>>) -> (i32, i32) {
    %c0_i32 = arith.constant 0 : i32
    %c0_i32_0 = arith.constant 0 : i32
    return %c0_i32, %arg0 : i32, i32
  }
  func.func @transform_1(%arg0: i32, %arg1: memref<61xi32, #tpu.memory_space<smem>>) -> (i32, i32) {
    %c0_i32 = arith.constant 0 : i32
    %c0_i32_0 = arith.constant 0 : i32
    %c0_i32_1 = arith.constant 0 : i32
    return %c0_i32, %c0_i32_0 : i32, i32
  }
  func.func @transform_2(%arg0: i32, %arg1: memref<61xi32, #tpu.memory_space<smem>>) -> (i32, i32) {
    %c0_i32 = arith.constant 0 : i32
    %c0_i32_0 = arith.constant 0 : i32
    %c0_i32_1 = arith.constant 0 : i32
    return %c0_i32, %c0_i32_0 : i32, i32
  }
  func.func @transform_3(%arg0: i32, %arg1: memref<61xi32, #tpu.memory_space<smem>>) -> (i32, i32) {
    %c0_i32 = arith.constant 0 : i32
    %c0_i32_0 = arith.constant 0 : i32
    %c0_i32_1 = arith.constant 0 : i32
    return %c0_i32, %c0_i32_0 : i32, i32
  }
  func.func @transform_4(%arg0: i32, %arg1: memref<61xi32, #tpu.memory_space<smem>>) -> (i32, i32) {
    %c0_i32 = arith.constant 0 : i32
    %c0_i32_0 = arith.constant 0 : i32
    %c0_i32_1 = arith.constant 0 : i32
    return %c0_i32, %c0_i32_0 : i32, i32
  }
  func.func @transform_5(%arg0: i32, %arg1: memref<61xi32, #tpu.memory_space<smem>>) -> (i32, i32) {
    %c0_i32 = arith.constant 0 : i32
    %c0_i32_0 = arith.constant 0 : i32
    %c0_i32_1 = arith.constant 0 : i32
    return %c0_i32, %c0_i32_0 : i32, i32
  }
  func.func @transform_6(%arg0: i32, %arg1: memref<61xi32, #tpu.memory_space<smem>>) -> (i32, i32) {
    %c0_i32 = arith.constant 0 : i32
    %c0_i32_0 = arith.constant 0 : i32
    %c0_i32_1 = arith.constant 0 : i32
    return %c0_i32, %c0_i32_0 : i32, i32
  }
  func.func @transform_7(%arg0: i32, %arg1: memref<61xi32, #tpu.memory_space<smem>>) -> (i32, i32) {
    %c0_i32 = arith.constant 0 : i32
    %c0_i32_0 = arith.constant 0 : i32
    %c0_i32_1 = arith.constant 0 : i32
    return %c0_i32, %c0_i32_0 : i32, i32
  }
}

</mosaic_0001>

<sc_bundles>
// kernel: gather_offload_async_start.1
scs
__scs_entry_jumppad:
0x0: {  	(pc) =	sbr.rel $0x88, $3  }
0x1: {  	(tag) =	ssettag $0x0;
	lr =	simm.s32 $0x1  }
0x2: {  	[smem:$0x3F9D] =	sst lr;
	_ =	strace $0xD0000000  }
0x3: {  	_ = 	snop  }
0x4: {  	_ = 	snop  }
0x5: {  	_ = 	snop  }
0x6: {  	_ = 	snop  }
0x7: {  	_ = 	snop  }
__scs_overlays_trampoline_lowered:
0x8: {  	[smem:$0x3FAC] =	sst s0  }
0x9: {  	[smem:$0x3FAD] =	sst s1  }
0xa: {  	[smem:$0x3FAE] =	sst s2  }
0xb: {  	[smem:$0x3FAF] =	sst s3  }
0xc: {  	[smem:$0x3FB0] =	sst s4  }
0xd: {  	[smem:$0x3FB1] =	sst s5  }
0xe: {  	[smem:$0x3FB2] =	sst s6  }
0xf: {  	[smem:$0x3FB3] =	sst s7  }
0x10: {  	[smem:$0x3FB4] =	sst s8  }
0x11: {  	[smem:$0x3FB5] =	sst s9;
	s0 =	simm.s32 @!p0 $0x0  }
0x12: {  	s1 =	sld [smem:$0x3F9B];
	s0 =	simm.s32 @p0 $0x1  }
0x13: {  	[smem:$0x3FB6] =	sst s0;
	s0 =	simm.s32 @!p1 $0x0  }
0x14: {  	s2 =	sld [smem:$0x3F9A];
	s0 =	simm.s32 @p1 $0x1  }
0x15: {  	[smem:$0x3FB7] =	sst s0;
	s0 =	simm.s32 @!p2 $0x0  }
0x16: {  	s3 =	sld [smem:$0x3FDB];
	s0 =	simm.s32 @p2 $0x1  }
0x17: {  	s4 =	simm.s32 $0x1BF5;
	[smem:$0x3FB9] =	sst s0  }
0x18: {  	s0 =	sld [smem:$0x3F9C];
	_ =	swait.ge [sflag:s4], $0x0  }
0x19: {  	s7 =	sld [smem:$0x3F9D]  }
0x1a: {  	s8 =	sadd.s32 $0xFFFFE003, lr  }
0x1b: {  	s9 =	sadd.s32 $0xFFFFFEF7, lr;
	s5 =	simm.s32 $0xFFFFFFFF;
	p2 =	slt.u32 s8, $0xFFFFF086  }
0x1c: {  	p1 =	slt.u32 s9, $0xF7A;
	s5 =	simm.s32 @!p2 $0x0  }
0x1d: {  	s5 =	simm.s32 @p1 $0x1;
	p0 =	seq.s32 s7, s2  }
0x1e: {  	s7 =	smul.u32 @!p0 $0xF7A, s2;
	p2 =	seq.s32 @!p0 s5, $0x0  }
0x1f: {  	s9 =	smul.u32 $0xF7A, s1;
	s8 =	simm.s32 @!p0 $0x1BF5;
	p2 =	por !p2, p0  }
0x20: {  	[sflag:s8] =	ssyncset.s32 @!p0 $0xFFFFF086;
	s6 =	sadd.s32 @!p0 s3, s7;
	s7 =	simm.s32 @!p0 $0x108  }
0x21: {  	s3 =	sadd.s32 s3, s9;
	s6 =	sadd.s32 @!p0 $0x88, s6;
	s7 =	simm.s32 @p2 $0x1082  }
0x22: {  	[simem:s7], [sflag:s8] =	dma.local @!p0 [hbm:s6], $0xF7A  }
0x23: {  	s9 =	sor.u32 $0xD0000000, s2;
	s6 =	simm.s32 $0x108;
	_ =	swait.ge @!p0 [sflag:s8], $0x0  }
0x24: {  	s3 =	sadd.s32 $0x88, s3;
	s6 =	simm.s32 @!p1 $0x1082;
	[sflag:s4] =	ssyncset.s32 $0xFFFFF086  }
0x25: {  	[simem:s6], [sflag:s4] =	dma.local [hbm:s3], $0xF7A  }
0x26: {  	[smem:$0x3F9D] =	sst s1;
	(tag) =	ssettag s2;
	_ =	strace s9  }
0x27: {  	s1 =	sld [smem:$0x3FAD]  }
0x28: {  	s2 =	sld [smem:$0x3FAE]  }
0x29: {  	s4 =	sld [smem:$0x3FB0]  }
0x2a: {  	p0 =	seq.s32 s5, $0x0;
	s5 =	sld [smem:$0x3FB1]  }
0x2b: {  	s6 =	sld [smem:$0x3FB2]  }
0x2c: {  	s7 =	sld [smem:$0x3FB3]  }
0x2d: {  	s3 =	simm.s32 $0x108;
	s8 =	sld [smem:$0x3FB4]  }
0x2e: {  	s3 =	simm.s32 @!p0 $0x1082;
	s9 =	sld [smem:$0x3FB5]  }
0x2f: {  	lr =	sadd.s32 s0, s3;
	s0 =	sld [smem:$0x3FAC]  }
0x30: {  	s3 =	sld [smem:$0x3FAF]  }
0x31: {  	[smem:$0x3FB8] =	sst s10  }
0x32: {  	s10 =	sld [smem:$0x3FB6];
	_ =	sdelay $0x3  }
0x33: {  	p0 =	seq.s32 s10, $0x1;
	s10 =	sld [smem:$0x3FB8];
	_ =	sdelay $0x3  }
0x34: {  	[smem:$0x3FB8] =	sst s10  }
0x35: {  	s10 =	sld [smem:$0x3FB7];
	_ =	sdelay $0x3  }
0x36: {  	p1 =	seq.s32 s10, $0x1;
	s10 =	sld [smem:$0x3FB8];
	_ =	sdelay $0x3  }
0x37: {  	[smem:$0x3FB8] =	sst s10  }
0x38: {  	s10 =	sld [smem:$0x3FB9]  }
0x39: {  	_ = 	snop;
	(pc) =	sbr.ind lr, $3  }
0x3a: {  	_ = 	snop  }
0x3b: {  	_ = 	snop  }
0x3c: {  	p2 =	seq.s32 s10, $0x1;
	s10 =	sld [smem:$0x3FB8]  }
0x3d: {  	_ =	shalt  }
0x3e: {  	_ =	shalt  }
0x3f: {  	_ =	shalt  }
0x40: {  	_ =	shalt  }
0x41: {  	_ =	shalt  }
0x42: {  	_ =	shalt  }
0x43: {  	_ =	shalt  }
0x44: {  	_ =	shalt  }
0x45: {  	_ =	shalt  }
0x46: {  	_ =	shalt  }
0x47: {  	_ =	shalt  }
0x48: {  	_ =	shalt  }
0x49: {  	_ =	shalt  }
0x4a: {  	_ =	shalt  }
0x4b: {  	_ =	shalt  }
0x4c: {  	_ =	shalt  }
0x4d: {  	_ =	shalt  }
0x4e: {  	_ =	shalt  }
0x4f: {  	_ =	shalt  }
0x50: {  	_ =	shalt  }
0x51: {  	_ =	shalt  }
0x52: {  	_ =	shalt  }
0x53: {  	_ =	shalt  }
0x54: {  	_ =	shalt  }
0x55: {  	_ =	shalt  }
0x56: {  	_ =	shalt  }
0x57: {  	_ =	shalt  }
0x58: {  	_ =	shalt  }
0x59: {  	_ =	shalt  }
0x5a: {  	_ =	shalt  }
0x5b: {  	_ =	shalt  }
0x5c: {  	_ =	shalt  }
0x5d: {  	_ =	shalt  }
0x5e: {  	_ =	shalt  }
0x5f: {  	_ =	shalt  }
0x60: {  	_ =	shalt  }
0x61: {  	_ =	shalt  }
0x62: {  	_ =	shalt  }
0x63: {  	_ =	shalt  }
0x64: {  	_ =	shalt  }
0x65: {  	_ =	shalt  }
0x66: {  	_ =	shalt  }
0x67: {  	_ =	shalt  }
0x68: {  	_ =	shalt  }
0x69: {  	_ =	shalt  }
0x6a: {  	_ =	shalt  }
0x6b: {  	_ =	shalt  }
0x6c: {  	_ =	shalt  }
0x6d: {  	_ =	shalt  }
0x6e: {  	_ =	shalt  }
0x6f: {  	_ =	shalt  }
0x70: {  	_ =	shalt  }
0x71: {  	_ =	shalt  }
0x72: {  	_ =	shalt  }
0x73: {  	_ =	shalt  }
0x74: {  	_ =	shalt  }
0x75: {  	_ =	shalt  }
0x76: {  	_ =	shalt  }
0x77: {  	_ =	shalt  }
0x78: {  	_ =	shalt  }
0x79: {  	_ =	shalt  }
0x7a: {  	_ =	shalt  }
0x7b: {  	_ =	shalt  }
0x7c: {  	_ =	shalt  }
0x7d: {  	_ =	shalt  }
0x7e: {  	_ =	shalt  }
0x7f: {  	_ =	shalt  }
0x80: {  	_ =	shalt  }
0x81: {  	_ =	shalt  }
0x82: {  	_ =	shalt  }
0x83: {  	_ =	shalt  }
0x84: {  	_ =	shalt  }
0x85: {  	_ =	shalt  }
0x86: {  	_ =	shalt  }
0x87: {  	_ =	shalt  }
.Lfunc_end0:
.L_simem_size_0:
called_computation.1_lowered:
.L_overlay_start_0:
0x88: {  	s2 =	sld [smem:$0x3FD9]  }
0x89: {  	s3 =	sld [smem:$0x3FFE];
	_ =	sdelay $0x1  }
0x8a: {  	s1 =	srdreg.scid  }
0x8b: {  	s0 =	sand.u32 $0x1, s1  }
0x8c: {  	s17 =	sshll.u32 s0, $0xA;
	s2 =	sadd.s32 s3, s2  }
0x8d: {  	s2 =	sadd.s32 s2, s17  }
0x8e: {  	[smem:$0x3FC4] =	sst s2  }
0x8f: {  	_ = 	snop  }
0x90: {  	(tm) =	ssettm $0x1  }
0x91: {  	s18 =	sld [smem:$0x3FFB];
	_ =	sdelay $0x3  }
0x92: {  	_ =	strace s18  }
0x93: {  	s2 =	sld [smem:$0x3FFC];
	_ =	sdelay $0x3  }
0x94: {  	_ =	strace s2  }
0x95: {  	s2 =	sld [smem:$0x3FFD];
	_ =	sdelay $0x3  }
0x96: {  	_ =	strace s2  }
0x97: {  	_ =	strace $0x8FFFFFFF  }
0x98: {  	s19 =	sld [smem:$0x3FDB];
	_ =	sdelay $0x1  }
0x99: {  	s20 =	simm.s32 $_scs_section_size  }
0x9a: {  	s4 =	simm.s32 $_size__tile_overlayer_lowered;
	s5 =	simm.s32 $_tile_overlayer_lowered  }
0x9b: {  	s6 =	simm.s32 $0x1BFF;
	s21 =	sshll.u32 s5, $0x1;
	s3 =	sadd.s32 s20, s19  }
0x9c: {  	s22 =	simm.s32 $0x0;
	s4 =	sshll.u32 s4, $0x1;
	s5 =	sadd.s32 s21, s3  }
0x9d: {  	[timem:s22], [sflag:s6] =	dma.local [hbm:s5], s4  }
0x9e: {  	_ =	swait.ge [sflag:s6], s4  }
0x9f: {  	s4 =	ssub.s32 $0x0, s4;
	[sflag:s6] =	ssyncset.done $0x0  }
0xa0: {  	[sflag:s6] =	ssyncadd.s32 s4;
	_ =	sdelay $0x1  }
0xa1: {  	s23 =	simm.s32 $0x1B8B  }
0xa2: {  	_ =	swait.ge [sflag:s23], $0x1  }
0xa3: {  	[sflag:s23] =	ssyncset.done $0x0  }
0xa4: {  	[sflag:s23] =	ssyncadd.s32 $0xFFFFFFFF  }
0xa5: {  	s4 =	sld [smem:$0x0]  }
0xa6: {  	s5 =	sand.u32 $0xFFFFFFFE, s1  }
0xa7: {  	p0 =	sne.s32 s1, s5  }
0xa8: {  	s5 =	sshll.u32 @p0 s5, $0xE  }
0xa9: {  	s5 =	sadd.s32 @p0 $0x11B8D, s5;
	s6 =	sshll.u32 @p0 s4, $0x11  }
0xaa: {  	s5 =	sor.u32 @p0 s6, s5  }
0xab: {  	[sflag:s5] =	ssyncadd.remote.s32 @p0 $0x1;
	_ =	sdelay $0x1  }
0xac: {  	s5 =	simm.s32 @p0 $0x1B8D  }
0xad: {  	_ =	swait.eq @p0 [sflag:s5], $0x1  }
0xae: {  	[sflag:s5] =	ssyncadd.s32 @p0 $0xFFFFFFFF  }
0xaf: {  	s6 =	sshll.u32 @!p0 s1, $0xE  }
0xb0: {  	s6 =	sor.u32 @!p0 $0x4000, s6;
	s5 =	simm.s32 @!p0 $0x1B8D  }
0xb1: {  	s4 =	sshll.u32 @!p0 s4, $0x11;
	s6 =	sadd.s32 @!p0 $0x11B8D, s6;
	_ =	swait.eq @!p0 [sflag:s5], $0x1  }
0xb2: {  	s4 =	sor.u32 @!p0 s4, s6;
	[sflag:s5] =	ssyncadd.s32 @!p0 $0xFFFFFFFF  }
0xb3: {  	s25 =	simm.s32 $0x1B8E;
	s24 =	sld [smem:$0x3FFE];
	[sflag:s4] =	ssyncadd.remote.s32 @!p0 $0x1  }
0xb4: {  	s26 =	simm.s32 $execute0_lowered;
	[smem:$0x3FD2] =	sst s25  }
0xb5: {  	s5 =	sshll.u32 s26, $0x1;
	_ =	strace $0x8000004C;
	[dreg:$0x1] =	wrdreg $0xFFFFFFFF  }
0xb6: {  	s28 =	simm.s32 $_size_execute0_lowered;
	s3 =	sadd.s32 s3, s5;
	[dreg:$0x0] =	wrdreg $0x0  }
0xb7: {  	s5 =	sshll.u32 s28, $0x1;
	[dreg:$0x2] =	wrdreg s3  }
0xb8: {  	[dreg:$0x3] =	wrdreg s5  }
0xb9: {  	[dreg:$0x4] =	wrdreg $0xC0  }
0xba: {  	_ =	task [dreg:s22], $0x5FFFF  }
0xbb: {  	[dreg:$0x1] =	wrdreg $0xFFFFFFFF  }
0xbc: {  	[dreg:$0x0] =	wrdreg $0x60  }
0xbd: {  	[dreg:$0x2] =	wrdreg s24  }
0xbe: {  	[dreg:$0x3] =	wrdreg $0x9  }
0xbf: {  	_ =	task.clear_ibuf [dreg:s22], $0x4FFFF;
	_ =	strace $0x9000004C  }
0xc0: {  	s29 =	simm.s32 $0x9;
	_ =	strace $0x8000004E  }
0xc1: {  	_ =	swait.ge [sflag:s29], $0x1  }
0xc2: {  	[sflag:s29] =	ssyncadd.s32 $0xFFFFFFFF  }
0xc3: {  	_ =	strace $0x9000004E  }
0xc4: {  	_ =	sfence  }
0xc5: {  	s30 =	sld [smem:$0x0];
	_ =	sdelay $0x2  }
0xc6: {  	s31 =	sshll.u32 s1, $0xD;
	s1 =	sshrl.u32 s1, $0x2  }
0xc7: {  	s4 =	sand.u32 $0x4000, s31;
	s1 =	sadd.s32 s1, s30  }
0xc8: {  	s0 =	sor.u32 s4, s0;
	s1 =	sshll.u32 s1, $0x11  }
0xc9: {  	s0 =	sor.u32 s1, s0  }
0xca: {  	s0 =	sadd.s32 $0x8F2B, s0  }
0xcb: {  	[sflag:s0] =	ssyncadd.remote.s32 $0x1  }
0xcc: {  	_ =	sfence.sel $0xFFFF  }
0xcd: {  	[dreg:$0x0] =	wrdreg $0xFFFFFFFF;
	(pc) =	sbr.abs _section_cstart, $3  }
0xce: {  	[dreg:$0x1] =	wrdreg $0xFFFFFFFF  }
0xcf: {  	_ =	task.clear_ibuf [dreg:s22], $0x2FFFF;
	_ =	strace $0x9FFFFFFF  }
0xd0: {  	(tm) =	ssettm $0x7FFFFFFF  }
0xd1: {  	_ =	shalt  }
tec
execute0_lowered:
.L_overlay_start_1:
0x0: {  	(tag) =	ssettag $0x1  }
0x1: {  	s0 =	srdreg.scid;
	s5 =	rddreg [dreg:$0x0]  }
0x2: {  	s1 =	stileid.u32;
	s6 =	simm.s32 $0x1;
	s9 =	simm.s32 $0x1  }
0x3: {  	s10 =	simm.s32 $0x3;
	s13 =	simm.s32 $0x0;
	s2 =	sshll.u32 s0, $0x7  }
0x4: {  	s12 =	simm.s32 $0x0;
	s3 =	sshll.u32 s1, $0x8;
	s2 =	sand.u32 $0x80, s2  }
0x5: {  	s0 =	rddreg [dreg:$0x1];
	_ =	strace $0x8000004D;
	s2 =	sor.u32 s3, s2  }
0x6: {  	s4 =	sadd.s32 $0x1000, s5;
	[sflag:s6] =	ssyncpa.u1 $0x0;
	s8 =	ssub.s32 $0x2000, s2  }
.Ltmp0:
0x7: {  	s3 =	sadd.s32 $0x800, s5;
	s7 =	sand.u32 $0xF80, s8;
	(pc) =	sbr.rel .LBB2_1-.Ltmp0, $4  }
0x8: {  	s5 =	sadd.s32 $0x200, s5;
	s11 =	smov.u32 s2;
	p0 =	sne.s32 s7, $0x0  }
0x9: {  	s8 =	sshrl.u32 s8, $0xC;
	s7 =	simm.s32 $0x2;
	s9 =	simm.s32 @!p0 $0x0  }
0xa: {  	[sflag:s7] =	ssyncpa.u1 $0x0;
	p0 =	por $0x0, $0x0;
	s8 =	sadd.s32 s9, s8  }
0xb: {  	vm0 =	vmmov $0xffff;
	[sflag:s10] =	ssyncpa.u1 $0x0;
	s10 =	simm.s32 $0x0;
	s9 =	sadd.s32 $0x1, s8  }
.LBB2_4:
0xc: {  	v2 =	vnsel vm1, $0x0, v2  }
0xd: {  	vm1 =	vgt.s32 v0, $0x0;
	v2 =	vmin.u32 v2, $0x1FFF  }
0xe: {  	v0 =	vnsel vm1, $0x0, v0  }
0xf: {  	v0 =	vmin.u32 v0, $0x1FFF  }
0x10: {  	[tilespmem:s15], [sflag:$0x1] =	stream.indirect_vreg.gather [hbm4b:s3+s10], $0x1, v1, vm0, $0x4038;
	[tilespmem:$0x200] =	vst v63  }
0x11: {  	(ifvalue) =	ssetifvalue $0x7FFFFFFF  }
0x12: {  	[tilespmem:s16], [sflag:$0x1] =	stream.indirect_vreg.gather [hbm4b:s3+s10], $0x1, v2, vm0, $0x4038;
	[tilespmem:$0x200] =	vst v63  }
0x13: {  	s29 =	sadd.s32 $0x10, s16;
	(ifvalue) =	ssetifvalue $0x7FFFFFFF  }
0x14: {  	[tilespmem:s29], [sflag:$0x1] =	stream.indirect_vreg.gather [hbm4b:s3+s10], $0x1, v0, vm0, $0x4038;
	[tilespmem:$0x200] =	vst v63  }
0x15: {  	_ =	swait.ge [sflag:s6], $0x80  }
0x16: {  	s30 =	sshrl.u32 s13, $0x3;
	[sflag:s6] =	ssyncset.done $0x0  }
0x17: {  	s31 =	sand.u32 $0x7, s13;
	s15 =	sadd.s32 s5, s30;
	[sflag:s6] =	ssyncadd.s32 $0xFFFFFF80  }
0x18: {  	[hbm4b:s15+s31] =	stream.linear.scatter [tilespmem:s14], [sflag:$0x3], $0x80, $0x38;
	[tilespmem:$0x200] =	vst v63  }
.LBB2_5:
0x19: {  	s15 =	sadd.s32 $0x1000, s11  }
0x1a: {  	p2 =	sgt.s32 s15, $0x1FFF  }
0x1b: {  	s15 =	smov.u32 @p2 s2;
	p2 =	sne.s32 s12, s9  }
.Ltmp1:
0x1c: {  	p1 =	slt.u32 s12, $0x2;
	(pc) =	sbr.rel @!p2 .LBB2_6-.Ltmp1, $4  }
0x1d: {  	s14 =	simm.s32 @!p1 $0x3  }
0x1e: {  	s16 =	sadd.s32 $0x1, s12;
	_ =	swait.ge @!p1 [sflag:s14], $0x80  }
0x1f: {  	s13 =	smov.u32 s11;
	p0 =	por !p0, !p0;
	[sflag:s14] =	ssyncset.done @!p1 $0x0  }
0x20: {  	s12 =	smov.u32 s16;
	s11 =	smov.u32 s15;
	[sflag:s14] =	ssyncadd.s32 @!p1 $0xFFFFFF80  }
.LBB2_1:
0x21: {  	p1 =	sge.u32 s12, s8  }
0x22: {  	s14 =	sxor.u32 @!p1 $0xFFFFFFFF, s12  }
0x23: {  	s31 =	sadd.s32 $0xFFFFFFFF, s12;
	s15 =	sshrl.u32 @!p1 s11, $0x3;
	s14 =	sshll.u32 @!p1 s14, $0x7  }
0x24: {  	s16 =	sand.u32 @!p1 $0x7, s11;
	s15 =	sadd.s32 @!p1 s4, s15;
	s14 =	sand.u32 @!p1 $0x80, s14  }
0x25: {  	[tilespmem:s14], [sflag:$0x2] =	stream.linear.gather @!p1 [hbm4b:s15+s16], $0x80, $0x38;
	[tilespmem:$0x200] =	vst v63  }
0x26: {  	p1 =	sge.u32 s31, s8  }
.Ltmp2:
0x27: {  	_ = 	snop;
	(pc) =	sbr.rel @p1 .LBB2_5-.Ltmp2, $1  }
0x28: {  	_ =	sdelay $0x3  }
0x29: {  	s14 =	simm.s32 $0x1  }
0x2a: {  	_ =	swait.ge [sflag:s7], $0x80;
	s14 =	simm.s32 @!p0 $0x0  }
0x2b: {  	[sflag:s7] =	ssyncset.done $0x0;
	s14 =	sshll.u32 s14, $0x7  }
0x2c: {  	[sflag:s7] =	ssyncadd.s32 $0xFFFFFF80;
	(ifvalue) =	ssetifvalue $0x7FFFFFFF;
	v0 =	vld.msk [tilespmem:s14+$0x0 ss:$0x1], $0xffff;
	_ =	sdelay $0x4  }
0x2d: {  	s15 =	sadd.s32 $0x10, s14;
	vm1 =	vgt.s32 v0, $0x0  }
0x2e: {  	v2 =	vld.msk [tilespmem:s15+$0x0 ss:$0x1], $0xffff;
	v1 =	vnsel vm1, $0x0, v0  }
0x2f: {  	v1 =	vmin.u32 v1, $0x1FFF;
	_ =	sdelay $0x1  }
0x30: {  	s16 =	sshll.u32 s12, $0x7;
	s18 =	simm.s32 $0x20  }
0x31: {  	s16 =	sand.u32 $0x80, s16;
	s17 =	sadd.s32 $0x10, s15;
	s15 =	sor.u32 $0x100, s14  }
0x32: {  	s14 =	sor.u32 $0x100, s16;
	s16 =	sadd.s32 $0x10, s15;
	v0 =	vld.msk [tilespmem:s17+$0x0 ss:$0x1], $0xffff;
	vm1 =	vgt.s32 v2, $0x0;
	(ifvalue) =	ssetifvalue $0x7FFFFFFF  }
.LBB2_3:
0x33: {  	[tilespmem:s15], [sflag:$0x1] =	stream.indirect_vreg.gather [hbm4b:s3+s10], $0x1, v1, vm0, $0x4038;
	[tilespmem:$0x200] =	vst v63  }
0x34: {  	s18 =	sadd.s32 $0x10, s18  }
0x35: {  	v2 =	vnsel vm1, $0x0, v2;
	p1 =	slt.u32 s18, $0x70  }
.Ltmp3:
0x36: {  	s15 =	smov.u32 s16;
	v1 =	vmin.u32 v2, $0x1FFF;
	(pc) =	sbr.rel @p1 .LBB2_3-.Ltmp3, $3  }
0x37: {  	_ =	sdelay $0x1  }
0x38: {  	s17 =	sadd.s32 $0x10, s17  }
0x39: {  	vm1 =	vgt.s32 v0, $0x0;
	s16 =	sadd.s32 $0x10, s16;
	v2 =	vmov v0;
	(ifvalue) =	ssetifvalue $0x7FFFFFFF;
	v0 =	vld.msk [tilespmem:s17+$0x0 ss:$0x1], $0xffff  }
.Ltmp4:
0x3a: {  	_ = 	snop;
	(pc) =	sbr.rel .LBB2_4-.Ltmp4, $1  }
0x3b: {  	_ =	sdelay $0x3  }
.LBB2_6:
0x3c: {  	_ =	sfence.sel $0x180000  }
0x3d: {  	s2 =	simm.s32 $0x2;
	[bflag:$0x0] =	sbarrier.arrive $0xFFFF  }
0x3e: {  	s30 =	simm.s32 $0x3;
	[sflag:s2] =	ssyncpa.u1 $0x1  }
0x3f: {  	s31 =	simm.s32 $0x1;
	[sflag:s30] =	ssyncpa.u1 $0x1  }
0x40: {  	[sflag:s31] =	ssyncpa.u1 $0x1  }
0x41: {  	p0 =	sne.s32 s1, $0x0;
	_ =	strace $0x9000004D  }
0x42: {  	s0 =	sadd.s32 @!p0 $0x100000, s0;
	[bflag:$0x2] =	sbarrier.arrive $0xFFFF  }
0x43: {  	[sflag:s0] =	ssyncadd.tile.s32 @!p0 $0x1;
	_ =	shalt  }
.Lfunc_end2:
_tile_overlayer_lowered:
.L_overlay_start_2:
0x44: {  	(tag) =	ssettag $0x2  }
0x45: {  	s0 =	rddreg [dreg:$0x0];
	s2 =	stileid.u32  }
0x46: {  	s1 =	rddreg [dreg:$0x1];
	p0 =	sne.s32 s2, $0x0  }
0x47: {  	s3 =	rddreg [dreg:$0x2];
	[bflag:$0x3] =	sbarrier.arrive $0xFFFF;
	s2 =	simm.s32 @!p0 $0x1C01  }
0x48: {  	[timem:s3], [sflag:s2] =	dma.local @!p0 [hbm:s0], s1  }
0x49: {  	s0 =	simm.s32 @!p0 $0x1  }
0x4a: {  	_ =	swait.ge @!p0 [sflag:s0], s1  }
0x4b: {  	s1 =	ssub.s32 @!p0 $0x0, s1;
	[sflag:s0] =	ssyncset.done @!p0 $0x0  }
0x4c: {  	[sflag:s0] =	ssyncadd.s32 @!p0 s1  }
0x4d: {  	[bflag:$0x3] =	sbarrier.arrive $0xFFFF  }
0x4e: {  	_ =	shalt  }

// kernel: gather_offload_async_start.2
scs
__scs_entry_jumppad:
0x0: {  	(pc) =	sbr.rel $0x88, $3  }
0x1: {  	(tag) =	ssettag $0x0;
	lr =	simm.s32 $0x1  }
0x2: {  	[smem:$0x3F9D] =	sst lr;
	_ =	strace $0xD0000000  }
0x3: {  	_ = 	snop  }
0x4: {  	_ = 	snop  }
0x5: {  	_ = 	snop  }
0x6: {  	_ = 	snop  }
0x7: {  	_ = 	snop  }
__scs_overlays_trampoline_lowered:
0x8: {  	[smem:$0x3FAC] =	sst s0  }
0x9: {  	[smem:$0x3FAD] =	sst s1  }
0xa: {  	[smem:$0x3FAE] =	sst s2  }
0xb: {  	[smem:$0x3FAF] =	sst s3  }
0xc: {  	[smem:$0x3FB0] =	sst s4  }
0xd: {  	[smem:$0x3FB1] =	sst s5  }
0xe: {  	[smem:$0x3FB2] =	sst s6  }
0xf: {  	[smem:$0x3FB3] =	sst s7  }
0x10: {  	[smem:$0x3FB4] =	sst s8  }
0x11: {  	[smem:$0x3FB5] =	sst s9;
	s0 =	simm.s32 @!p0 $0x0  }
0x12: {  	s1 =	sld [smem:$0x3F9B];
	s0 =	simm.s32 @p0 $0x1  }
0x13: {  	[smem:$0x3FB6] =	sst s0;
	s0 =	simm.s32 @!p1 $0x0  }
0x14: {  	s2 =	sld [smem:$0x3F9A];
	s0 =	simm.s32 @p1 $0x1  }
0x15: {  	[smem:$0x3FB7] =	sst s0;
	s0 =	simm.s32 @!p2 $0x0  }
0x16: {  	s3 =	sld [smem:$0x3FDB];
	s0 =	simm.s32 @p2 $0x1  }
0x17: {  	s4 =	simm.s32 $0x1BF5;
	[smem:$0x3FB9] =	sst s0  }
0x18: {  	s0 =	sld [smem:$0x3F9C];
	_ =	swait.ge [sflag:s4], $0x0  }
0x19: {  	s7 =	sld [smem:$0x3F9D]  }
0x1a: {  	s8 =	sadd.s32 $0xFFFFE003, lr  }
0x1b: {  	s9 =	sadd.s32 $0xFFFFFEF7, lr;
	s5 =	simm.s32 $0xFFFFFFFF;
	p2 =	slt.u32 s8, $0xFFFFF086  }
0x1c: {  	p1 =	slt.u32 s9, $0xF7A;
	s5 =	simm.s32 @!p2 $0x0  }
0x1d: {  	s5 =	simm.s32 @p1 $0x1;
	p0 =	seq.s32 s7, s2  }
0x1e: {  	s7 =	smul.u32 @!p0 $0xF7A, s2;
	p2 =	seq.s32 @!p0 s5, $0x0  }
0x1f: {  	s9 =	smul.u32 $0xF7A, s1;
	s8 =	simm.s32 @!p0 $0x1BF5;
	p2 =	por !p2, p0  }
0x20: {  	[sflag:s8] =	ssyncset.s32 @!p0 $0xFFFFF086;
	s6 =	sadd.s32 @!p0 s3, s7;
	s7 =	simm.s32 @!p0 $0x108  }
0x21: {  	s3 =	sadd.s32 s3, s9;
	s6 =	sadd.s32 @!p0 $0x88, s6;
	s7 =	simm.s32 @p2 $0x1082  }
0x22: {  	[simem:s7], [sflag:s8] =	dma.local @!p0 [hbm:s6], $0xF7A  }
0x23: {  	s9 =	sor.u32 $0xD0000000, s2;
	s6 =	simm.s32 $0x108;
	_ =	swait.ge @!p0 [sflag:s8], $0x0  }
0x24: {  	s3 =	sadd.s32 $0x88, s3;
	s6 =	simm.s32 @!p1 $0x1082;
	[sflag:s4] =	ssyncset.s32 $0xFFFFF086  }
0x25: {  	[simem:s6], [sflag:s4] =	dma.local [hbm:s3], $0xF7A  }
0x26: {  	[smem:$0x3F9D] =	sst s1;
	(tag) =	ssettag s2;
	_ =	strace s9  }
0x27: {  	s1 =	sld [smem:$0x3FAD]  }
0x28: {  	s2 =	sld [smem:$0x3FAE]  }
0x29: {  	s4 =	sld [smem:$0x3FB0]  }
0x2a: {  	p0 =	seq.s32 s5, $0x0;
	s5 =	sld [smem:$0x3FB1]  }
0x2b: {  	s6 =	sld [smem:$0x3FB2]  }
0x2c: {  	s7 =	sld [smem:$0x3FB3]  }
0x2d: {  	s3 =	simm.s32 $0x108;
	s8 =	sld [smem:$0x3FB4]  }
0x2e: {  	s3 =	simm.s32 @!p0 $0x1082;
	s9 =	sld [smem:$0x3FB5]  }
0x2f: {  	lr =	sadd.s32 s0, s3;
	s0 =	sld [smem:$0x3FAC]  }
0x30: {  	s3 =	sld [smem:$0x3FAF]  }
0x31: {  	[smem:$0x3FB8] =	sst s10  }
0x32: {  	s10 =	sld [smem:$0x3FB6];
	_ =	sdelay $0x3  }
0x33: {  	p0 =	seq.s32 s10, $0x1;
	s10 =	sld [smem:$0x3FB8];
	_ =	sdelay $0x3  }
0x34: {  	[smem:$0x3FB8] =	sst s10  }
0x35: {  	s10 =	sld [smem:$0x3FB7];
	_ =	sdelay $0x3  }
0x36: {  	p1 =	seq.s32 s10, $0x1;
	s10 =	sld [smem:$0x3FB8];
	_ =	sdelay $0x3  }
0x37: {  	[smem:$0x3FB8] =	sst s10  }
0x38: {  	s10 =	sld [smem:$0x3FB9]  }
0x39: {  	_ = 	snop;
	(pc) =	sbr.ind lr, $3  }
0x3a: {  	_ = 	snop  }
0x3b: {  	_ = 	snop  }
0x3c: {  	p2 =	seq.s32 s10, $0x1;
	s10 =	sld [smem:$0x3FB8]  }
0x3d: {  	_ =	shalt  }
0x3e: {  	_ =	shalt  }
0x3f: {  	_ =	shalt  }
0x40: {  	_ =	shalt  }
0x41: {  	_ =	shalt  }
0x42: {  	_ =	shalt  }
0x43: {  	_ =	shalt  }
0x44: {  	_ =	shalt  }
0x45: {  	_ =	shalt  }
0x46: {  	_ =	shalt  }
0x47: {  	_ =	shalt  }
0x48: {  	_ =	shalt  }
0x49: {  	_ =	shalt  }
0x4a: {  	_ =	shalt  }
0x4b: {  	_ =	shalt  }
0x4c: {  	_ =	shalt  }
0x4d: {  	_ =	shalt  }
0x4e: {  	_ =	shalt  }
0x4f: {  	_ =	shalt  }
0x50: {  	_ =	shalt  }
0x51: {  	_ =	shalt  }
0x52: {  	_ =	shalt  }
0x53: {  	_ =	shalt  }
0x54: {  	_ =	shalt  }
0x55: {  	_ =	shalt  }
0x56: {  	_ =	shalt  }
0x57: {  	_ =	shalt  }
0x58: {  	_ =	shalt  }
0x59: {  	_ =	shalt  }
0x5a: {  	_ =	shalt  }
0x5b: {  	_ =	shalt  }
0x5c: {  	_ =	shalt  }
0x5d: {  	_ =	shalt  }
0x5e: {  	_ =	shalt  }
0x5f: {  	_ =	shalt  }
0x60: {  	_ =	shalt  }
0x61: {  	_ =	shalt  }
0x62: {  	_ =	shalt  }
0x63: {  	_ =	shalt  }
0x64: {  	_ =	shalt  }
0x65: {  	_ =	shalt  }
0x66: {  	_ =	shalt  }
0x67: {  	_ =	shalt  }
0x68: {  	_ =	shalt  }
0x69: {  	_ =	shalt  }
0x6a: {  	_ =	shalt  }
0x6b: {  	_ =	shalt  }
0x6c: {  	_ =	shalt  }
0x6d: {  	_ =	shalt  }
0x6e: {  	_ =	shalt  }
0x6f: {  	_ =	shalt  }
0x70: {  	_ =	shalt  }
0x71: {  	_ =	shalt  }
0x72: {  	_ =	shalt  }
0x73: {  	_ =	shalt  }
0x74: {  	_ =	shalt  }
0x75: {  	_ =	shalt  }
0x76: {  	_ =	shalt  }
0x77: {  	_ =	shalt  }
0x78: {  	_ =	shalt  }
0x79: {  	_ =	shalt  }
0x7a: {  	_ =	shalt  }
0x7b: {  	_ =	shalt  }
0x7c: {  	_ =	shalt  }
0x7d: {  	_ =	shalt  }
0x7e: {  	_ =	shalt  }
0x7f: {  	_ =	shalt  }
0x80: {  	_ =	shalt  }
0x81: {  	_ =	shalt  }
0x82: {  	_ =	shalt  }
0x83: {  	_ =	shalt  }
0x84: {  	_ =	shalt  }
0x85: {  	_ =	shalt  }
0x86: {  	_ =	shalt  }
0x87: {  	_ =	shalt  }
.Lfunc_end0:
.L_simem_size_0:
called_computation.2_lowered:
.L_overlay_start_0:
0x88: {  	s2 =	sld [smem:$0x3FD9]  }
0x89: {  	s3 =	sld [smem:$0x3FFE];
	_ =	sdelay $0x1  }
0x8a: {  	s1 =	srdreg.scid  }
0x8b: {  	s0 =	sand.u32 $0x1, s1  }
0x8c: {  	s17 =	sshll.u32 s0, $0xA;
	s2 =	sadd.s32 s3, s2  }
0x8d: {  	s2 =	sadd.s32 s2, s17  }
0x8e: {  	[smem:$0x3FC4] =	sst s2  }
0x8f: {  	_ = 	snop  }
0x90: {  	s2 =	sld [smem:$0x3FD0];
	(tm) =	ssettm $0x1  }
0x91: {  	s18 =	sld [smem:$0x3FFB];
	_ =	sdelay $0x3  }
0x92: {  	_ =	strace s18  }
0x93: {  	s3 =	sld [smem:$0x3FFC];
	_ =	sdelay $0x3  }
0x94: {  	_ =	strace s3  }
0x95: {  	s3 =	sld [smem:$0x3FFD];
	_ =	sdelay $0x3  }
0x96: {  	_ =	strace s3  }
0x97: {  	_ =	strace $0x8FFFFFFF  }
0x98: {  	s19 =	sld [smem:$0x3FDB];
	_ =	sdelay $0x1  }
0x99: {  	s4 =	simm.s32 $_scs_section_size  }
0x9a: {  	s5 =	simm.s32 $_size__tile_overlayer_lowered;
	s6 =	simm.s32 $_tile_overlayer_lowered  }
0x9b: {  	s22 =	simm.s32 $0x1BFF;
	s21 =	sshll.u32 s6, $0x1;
	s3 =	sadd.s32 s4, s19  }
0x9c: {  	s7 =	simm.s32 $0x0;
	s20 =	sshll.u32 s5, $0x1;
	s5 =	sadd.s32 s21, s3  }
0x9d: {  	[timem:s7], [sflag:s22] =	dma.local [hbm:s5], s20  }
0x9e: {  	_ =	swait.ge [sflag:s22], s20  }
0x9f: {  	s4 =	ssub.s32 $0x0, s20;
	[sflag:s22] =	ssyncset.done $0x0  }
0xa0: {  	[sflag:s22] =	ssyncadd.s32 s4;
	_ =	sdelay $0x1  }
0xa1: {  	s23 =	simm.s32 $0x1B8B  }
0xa2: {  	_ =	swait.ge [sflag:s23], $0x1  }
0xa3: {  	[sflag:s23] =	ssyncset.done $0x0  }
0xa4: {  	s25 =	simm.s32 $0x1B8E;
	s24 =	sld [smem:$0x3FFE];
	[sflag:s23] =	ssyncadd.s32 $0xFFFFFFFF  }
0xa5: {  	s26 =	simm.s32 $execute0_lowered;
	[smem:$0x3FD2] =	sst s25  }
0xa6: {  	s5 =	sshll.u32 s26, $0x1;
	_ =	strace $0x80000049;
	[dreg:$0x1] =	wrdreg $0xFFFFFFFF  }
0xa7: {  	s28 =	simm.s32 $_size_execute0_lowered;
	s3 =	sadd.s32 s3, s5;
	[dreg:$0x0] =	wrdreg $0x0  }
0xa8: {  	s5 =	sshll.u32 s28, $0x1;
	[dreg:$0x2] =	wrdreg s3  }
0xa9: {  	[dreg:$0x3] =	wrdreg s5  }
0xaa: {  	[dreg:$0x4] =	wrdreg $0xC0  }
0xab: {  	_ =	task [dreg:s7], $0x5FFFF  }
0xac: {  	[dreg:$0x1] =	wrdreg $0xFFFFFFFF  }
0xad: {  	[dreg:$0x0] =	wrdreg $0x60  }
0xae: {  	[dreg:$0x2] =	wrdreg s2  }
0xaf: {  	[dreg:$0x3] =	wrdreg s24  }
0xb0: {  	[dreg:$0x4] =	wrdreg $0xA  }
0xb1: {  	_ =	task.clear_ibuf [dreg:s7], $0x5FFFF;
	_ =	strace $0x90000049  }
0xb2: {  	s29 =	simm.s32 $0xA;
	_ =	strace $0x8000004B  }
0xb3: {  	_ =	swait.ge [sflag:s29], $0x1  }
0xb4: {  	[sflag:s29] =	ssyncadd.s32 $0xFFFFFFFF  }
0xb5: {  	_ =	strace $0x9000004B  }
0xb6: {  	_ =	sfence  }
0xb7: {  	s30 =	sld [smem:$0x0];
	_ =	sdelay $0x2  }
0xb8: {  	s31 =	sshll.u32 s1, $0xD;
	s1 =	sshrl.u32 s1, $0x2  }
0xb9: {  	s3 =	sand.u32 $0x4000, s31;
	s1 =	sadd.s32 s1, s30  }
0xba: {  	s0 =	sor.u32 s3, s0;
	s1 =	sshll.u32 s1, $0x11  }
0xbb: {  	s0 =	sor.u32 s1, s0  }
0xbc: {  	s0 =	sadd.s32 $0x8F2B, s0  }
0xbd: {  	[sflag:s0] =	ssyncadd.remote.s32 $0x1  }
0xbe: {  	_ =	sfence.sel $0xFFFF  }
0xbf: {  	[dreg:$0x0] =	wrdreg $0xFFFFFFFF;
	(pc) =	sbr.abs _section_cstart, $3  }
0xc0: {  	[dreg:$0x1] =	wrdreg $0xFFFFFFFF  }
0xc1: {  	_ =	task.clear_ibuf [dreg:s7], $0x2FFFF;
	_ =	strace $0x9FFFFFFF  }
0xc2: {  	(tm) =	ssettm $0x7FFFFFFF  }
0xc3: {  	_ =	shalt  }
tec
execute0_lowered:
.L_overlay_start_1:
0x0: {  	(tag) =	ssettag $0x1  }
0x1: {  	s0 =	srdreg.scid  }
0x2: {  	s6 =	rddreg [dreg:$0x1];
	s7 =	simm.s32 $0x1;
	s1 =	sshll.u32 s0, $0x4  }
0x3: {  	s8 =	simm.s32 $0x3;
	s0 =	stileid.u32;
	s1 =	sand.u32 $0x10, s1  }
0x4: {  	s10 =	simm.s32 $0x4;
	s11 =	simm.s32 $0x0;
	s2 =	sor.u32 s0, s1  }
0x5: {  	s12 =	simm.s32 $0xFFFFF800;
	s1 =	sshll.u32 s1, $0x5;
	s3 =	smin.u32 s2, $0x10  }
0x6: {  	s13 =	simm.s32 $0xFFFFFE00;
	s1 =	sxor.u32 $0x200, s1;
	s3 =	sshll.u32 s3, $0x9  }
0x7: {  	s14 =	simm.s32 $0xFFFFFFFF;
	s18 =	simm.s32 $0x0;
	s4 =	sadd.s32 s1, s3  }
0x8: {  	s15 =	simm.s32 $0x0;
	s2 =	rddreg [dreg:$0x0];
	s4 =	smin.u32 s4, $0x2000  }
0x9: {  	s17 =	simm.s32 $0x0;
	s1 =	rddreg [dreg:$0x2];
	s9 =	ssub.s32 s4, s3  }
.Ltmp0:
0xa: {  	_ =	strace $0x8000004A;
	p0 =	sgt.s32 s9, $0x0;
	(pc) =	sbr.rel .LBB2_1-.Ltmp0, $4  }
0xb: {  	[sflag:s7] =	ssyncpa.u1 $0x0;
	s7 =	simm.s32 $0x2;
	s9 =	simm.s32 @!p0 $0x0  }
0xc: {  	s5 =	sadd.s32 $0x1000, s6;
	[sflag:s7] =	ssyncpa.u1 $0x0;
	s9 =	sadd.s32 $0x1FF, s9  }
0xd: {  	s6 =	sadd.s32 $0xC00, s6;
	[sflag:s8] =	ssyncpa.u1 $0x0;
	s9 =	sshrl.u32 s9, $0x9  }
0xe: {  	v0 =	vlaneseq.u32;
	vm0 =	vmmov $0xffff;
	s16 =	smov.u32 s3;
	[sflag:s10] =	ssyncpa.u1 $0x0;
	s10 =	sadd.s32 $0x2, s9  }
.LBB2_7:
0xf: {  	p0 =	slt.u32 s17, $0x3  }
0x10: {  	s18 =	simm.s32 @!p0 $0x4  }
0x11: {  	_ =	swait.ge @!p0 [sflag:s18], $0x80  }
0x12: {  	s19 =	sadd.s32 $0x200, s16;
	[sflag:s18] =	ssyncset.done @!p0 $0x0  }
0x13: {  	s20 =	smov.u32 s3;
	[sflag:s18] =	ssyncadd.s32 @!p0 $0xFFFFFF80;
	p0 =	slt.s32 s19, s4  }
0x14: {  	s20 =	smov.u32 @p0 s19;
	p0 =	sne.s32 s17, s10  }
.Ltmp1:
0x15: {  	_ = 	snop;
	(pc) =	sbr.rel @!p0 .LBB2_8-.Ltmp1, $4  }
0x16: {  	_ = 	snop  }
0x17: {  	s31 =	sadd.s32 $0x1, s17;
	s12 =	sadd.s32 $0x800, s12  }
0x18: {  	s13 =	sadd.s32 $0x200, s13;
	s14 =	sadd.s32 $0x1, s14;
	s18 =	smov.u32 s15  }
0x19: {  	s15 =	smov.u32 s16;
	s17 =	smov.u32 s31;
	s16 =	smov.u32 s20  }
.LBB2_1:
0x1a: {  	p0 =	sge.u32 s17, s9  }
0x1b: {  	s19 =	smulhi.u32 @!p0 $0xAAAAAAAB, s17;
	_ =	sdelay $0x1  }
0x1c: {  	s19 =	sshrl.u32 @!p0 s19, $0x1  }
0x1d: {  	s19 =	smul.u32 @!p0 $0x3, s19;
	_ =	sdelay $0x1  }
0x1e: {  	s31 =	sadd.s32 $0xFFFFFFFF, s17;
	s20 =	sshrl.u32 @!p0 s16, $0x3;
	s19 =	ssub.s32 @!p0 s17, s19  }
0x1f: {  	s21 =	sand.u32 @!p0 $0x7, s16;
	s20 =	sadd.s32 @!p0 s5, s20;
	s19 =	sshll.u32 @!p0 s19, $0x9  }
0x20: {  	[tilespmem:s19], [sflag:$0x2] =	stream.linear.gather @!p0 [hbm4b:s20+s21], $0x200, $0x38;
	[tilespmem:$0xB00] =	vst v63  }
0x21: {  	p0 =	sge.u32 s31, s9  }
.Ltmp2:
0x22: {  	_ = 	snop;
	(pc) =	sbr.rel @p0 .LBB2_5-.Ltmp2, $1  }
0x23: {  	_ =	sdelay $0x3  }
0x24: {  	s19 =	smulhi.u32 $0xAAAAAAAB, s14;
	_ =	sdelay $0x1  }
0x25: {  	s19 =	sshrl.u32 s19, $0x1  }
0x26: {  	s19 =	smul.u32 $0xFFFFE800, s19;
	_ =	sdelay $0x1  }
0x27: {  	_ =	swait.ge [sflag:s7], $0x200;
	s19 =	sshra.s32 s19, $0x2  }
0x28: {  	[sflag:s7] =	ssyncset.done $0x0;
	s20 =	sadd.s32 s19, s13  }
0x29: {  	[sflag:s7] =	ssyncadd.s32 $0xFFFFFE00;
	(ifvalue) =	ssetifvalue $0x7FFFFFFF;
	v1 =	vld.msk [tilespmem:s20+$0x0 ss:$0x1], $0xffff  }
0x2a: {  	s21 =	sadd.s32 $0x10, s20  }
0x2b: {  	v2 =	vld.msk [tilespmem:s21+$0x0 ss:$0x1], $0xffff;
	_ =	sdelay $0x1  }
0x2c: {  	s19 =	ssub.s32 $0x2000, s15  }
0x2d: {  	p0 =	slt.s32 s19, $0x200;
	vm1 =	vgt.s32 v1, $0x0  }
0x2e: {  	s19 =	simm.s32 @!p0 $0x200;
	v1 =	vnsel vm1, $0x0, v1  }
0x2f: {  	p0 =	sgt.s32 s19, $0x0;
	s22 =	smov.u32 s19;
	vm1 =	vgt.s32 v2, $0x0;
	v1 =	vmin.u32 v1, $0x1FFF  }
0x30: {  	s22 =	simm.s32 @!p0 $0x0;
	v2 =	vnsel vm1, $0x0, v2;
	v4 =	vshll.u32 v1, $0x2  }
0x31: {  	s22 =	smin.u32 s22, $0x10;
	v3 =	vshrl.u32 v1, $0x7;
	v1 =	vand.u32 $0x1E00, v1;
	v4 =	vand.u32 $0x1FC, v4  }
0x32: {  	v5 =	vmin.u32 v2, $0x1FFF;
	v2 =	vmov s22;
	v1 =	vor.u32 v1, v4  }
0x33: {  	vm1 =	vgt.u32 v2, v0;
	v1 =	vshrl.u32 v1, $0x2  }
0x34: {  	s30 =	sshrl.u32 s12, $0x2;
	s23 =	sadd.s32 $0xFFFFFFF0, s19;
	v1 =	vnsel vm1, $0x7FFFFFFF, v1  }
0x35: {  	s19 =	sadd.s32 $0x10, s21;
	p0 =	sgt.s32 s23, $0x0;
	s25 =	smov.u32 s23;
	v3 =	vand.u32 $0x3, v3  }
0x36: {  	s31 =	sand.u32 $0x200, s30;
	s25 =	simm.s32 @!p0 $0x0;
	v2 =	vld.msk [tilespmem:s19+$0x0 ss:$0x1], $0xffff;
	v4 =	vshrl.u32 v5, $0x7;
	[tilespmem:s20+$0x0] =	vst v3;
	v3 =	vshll.u32 v5, $0x2  }
0x37: {  	s24 =	simm.s32 $0x30;
	s25 =	smin.u32 s25, $0x10;
	s22 =	sadd.s32 $0x600, s31;
	v5 =	vand.u32 $0x1E00, v5;
	v4 =	vand.u32 $0x3, v4;
	v6 =	vand.u32 $0x1FC, v3  }
0x38: {  	s20 =	sadd.s32 $0x10, s19;
	v3 =	vmov s25;
	[tilespmem:s21+$0x0] =	vst v4;
	v4 =	vor.u32 v5, v6;
	(ifvalue) =	ssetifvalue $0x7FFFFFFF;
	s21 =	sadd.s32 $0x10, s22  }
.LBB2_3:
0x39: {  	[tilespmem:s22], [sflag:$0x3] =	stream.indirect_vreg.gather [hbm4b:s2+s11], $0x1, v1, vm0, $0x4038;
	[tilespmem:$0xB00] =	vst v63  }
0x3a: {  	s24 =	sadd.s32 $0x10, s24  }
0x3b: {  	vm1 =	vgt.s32 v2, $0x0;
	vm2 =	vgt.u32 v3, v0;
	v3 =	vshrl.u32 v4, $0x2;
	v1 =	vmovc v2;
	v2 =	vld.msk [tilespmem:s20+$0x0 ss:$0x1], $0xffff;
	p0 =	slt.u32 s24, $0x1F0  }
.Ltmp3:
0x3c: {  	s23 =	sadd.s32 $0xFFFFFFF0, s23;
	v4 =	vnsel vm1, $0x0, v1;
	v1 =	vnsel vm2, $0x7FFFFFFF, v3;
	(pc) =	sbr.rel @p0 .LBB2_3-.Ltmp3, $4  }
0x3d: {  	s25 =	smov.u32 s19;
	p1 =	sgt.s32 s23, $0x0;
	s26 =	smov.u32 s23;
	v3 =	vmin.u32 v4, $0x1FFF  }
0x3e: {  	s19 =	smov.u32 s20;
	s22 =	smov.u32 s21;
	s26 =	simm.s32 @!p1 $0x0;
	v4 =	vshrl.u32 v3, $0x7;
	v5 =	vshll.u32 v3, $0x2  }
0x3f: {  	s26 =	smin.u32 s26, $0x10;
	v6 =	vand.u32 $0x3, v4;
	v4 =	vand.u32 $0x1E00, v3;
	v5 =	vand.u32 $0x1FC, v5  }
0x40: {  	s20 =	sadd.s32 $0x10, s20;
	s21 =	sadd.s32 $0x10, s21;
	v3 =	vmov s26;
	v4 =	vor.u32 v4, v5;
	[tilespmem:s25+$0x0] =	vst v6;
	(ifvalue) =	ssetifvalue $0x7FFFFFFF  }
0x41: {  	v5 =	vld.msk [tilespmem:s20+$0x0 ss:$0x1], $0xffff;
	_ =	sdelay $0x1  }
0x42: {  	s23 =	sadd.s32 $0xFFFFFFF0, s23;
	vm1 =	vgt.s32 v2, $0x0  }
0x43: {  	p0 =	sgt.s32 s23, $0x0;
	s24 =	smov.u32 s23;
	v2 =	vnsel vm1, $0x0, v2;
	vm1 =	vgt.u32 v3, v0;
	v3 =	vshrl.u32 v4, $0x2  }
0x44: {  	s24 =	simm.s32 @!p0 $0x0;
	v2 =	vmin.u32 v2, $0x1FFF;
	v3 =	vnsel vm1, $0x7FFFFFFF, v3  }
0x45: {  	s24 =	smin.u32 s24, $0x10;
	v60 =	vshll.u32 v2, $0x2;
	v7 =	vand.u32 $0x1E00, v2;
	vm1 =	vgt.s32 v5, $0x0  }
0x46: {  	s23 =	sadd.s32 $0xFFFFFFF0, s23;
	v2 =	vshrl.u32 v2, $0x7;
	v6 =	vmov s24;
	v5 =	vnsel vm1, $0x0, v5  }
0x47: {  	p0 =	sgt.s32 s23, $0x0;
	v4 =	vand.u32 $0x1FC, v60;
	v2 =	vand.u32 $0x3, v2;
	v5 =	vmin.u32 v5, $0x1FFF  }
0x48: {  	s23 =	simm.s32 @!p0 $0x0;
	v4 =	vor.u32 v7, v4;
	vm1 =	vgt.u32 v6, v0;
	v61 =	vshll.u32 v5, $0x2  }
0x49: {  	s23 =	smin.u32 s23, $0x10;
	v4 =	vshrl.u32 v4, $0x2;
	v62 =	vand.u32 $0x1E00, v5;
	v6 =	vand.u32 $0x1FC, v61  }
0x4a: {  	v63 =	vmov s23;
	v4 =	vnsel vm1, $0x7FFFFFFF, v4;
	v6 =	vor.u32 v62, v6  }
0x4b: {  	[tilespmem:s22], [sflag:$0x3] =	stream.indirect_vreg.gather [hbm4b:s2+s11], $0x1, v1, vm0, $0x4038;
	[tilespmem:s19+$0x0] =	vst v2;
	vm1 =	vgt.u32 v63, v0;
	v2 =	vshrl.u32 v6, $0x2  }
0x4c: {  	(ifvalue) =	ssetifvalue $0x7FFFFFFF;
	v1 =	vshrl.u32 v5, $0x7;
	v2 =	vnsel vm1, $0x7FFFFFFF, v2  }
0x4d: {  	[tilespmem:s21], [sflag:$0x3] =	stream.indirect_vreg.gather [hbm4b:s2+s11], $0x1, v3, vm0, $0x4038;
	v1 =	vand.u32 $0x3, v1;
	[tilespmem:$0xB00] =	vst v63  }
0x4e: {  	s31 =	sadd.s32 $0x10, s21;
	[tilespmem:s20+$0x0] =	vst v1;
	(ifvalue) =	ssetifvalue $0x7FFFFFFF  }
0x4f: {  	[tilespmem:s31], [sflag:$0x3] =	stream.indirect_vreg.gather [hbm4b:s2+s11], $0x1, v4, vm0, $0x4038;
	[tilespmem:$0xB00] =	vst v63  }
0x50: {  	s19 =	sadd.s32 $0x10, s31;
	(ifvalue) =	ssetifvalue $0x7FFFFFFF  }
0x51: {  	[tilespmem:s19], [sflag:$0x3] =	stream.indirect_vreg.gather [hbm4b:s2+s11], $0x1, v2, vm0, $0x4038;
	[tilespmem:$0xB00] =	vst v63  }
.LBB2_5:
0x52: {  	p0 =	slt.u32 s17, $0x2  }
0x53: {  	p1 =	sge.u32 @!p0 s17, s10  }
0x54: {  	p0 =	por p0, p1  }
.Ltmp4:
0x55: {  	_ = 	snop;
	(pc) =	sbr.rel @p0 .LBB2_7-.Ltmp4, $1  }
0x56: {  	_ =	sdelay $0x3  }
0x57: {  	s19 =	sadd.s32 $0xFFFFFFFE, s17  }
0x58: {  	s20 =	smulhi.u32 $0xAAAAAAAB, s19  }
0x59: {  	_ =	swait.ge [sflag:s8], $0x200  }
0x5a: {  	s21 =	sand.u32 $0x1, s17;
	[sflag:s8] =	ssyncset.done $0x0;
	s20 =	sshrl.u32 s20, $0x1  }
0x5b: {  	s28 =	sshll.u32 s21, $0x9;
	[sflag:s8] =	ssyncadd.s32 $0xFFFFFE00;
	s20 =	smul.u32 $0x3, s20  }
0x5c: {  	v1 =	vld [tilespmem:s28+$0x600]  }
0x5d: {  	v3 =	vld [tilespmem:s28+$0x680];
	s20 =	ssub.s32 s19, s20  }
0x5e: {  	v6 =	vld [tilespmem:s28+$0x700];
	s20 =	sshll.u32 s20, $0x9  }
0x5f: {  	v2 =	vld [tilespmem:s20+$0x0]  }
0x60: {  	v4 =	vld [tilespmem:s20+$0x80]  }
0x61: {  	v5 =	vld [tilespmem:s20+$0x100]  }
0x62: {  	v7 =	vld [tilespmem:s20+$0x180];
	_ =	sdelay $0x1  }
0x63: {  	v8 =	vld [tilespmem:s28+$0x780]  }
0x64: {  	v2 =	vshll.u32 v2, $0x3;
	v4 =	vshll.u32 v4, $0x3  }
0x65: {  	v1 =	vshrl.u32 v1, v2;
	v2 =	vshrl.u32 v3, v4;
	v3 =	vshll.u32 v5, $0x3  }
0x66: {  	v21 =	vshll.u32 v7, $0x3;
	v2 =	vshll.u32 v2, $0x8;
	v3 =	vshrl.u32 v6, v3  }
0x67: {  	v1 =	vand.u32 $0xFF, v1;
	v2 =	vand.u32 $0xFF00, v2;
	v3 =	vshll.u32 v3, $0x10  }
0x68: {  	v1 =	vor.u32 v1, v2;
	v2 =	vand.u32 $0xFF0000, v3;
	v3 =	vshrl.u32 v8, v21  }
0x69: {  	v1 =	vor.u32 v2, v1;
	v2 =	vshll.u32 v3, $0x18  }
0x6a: {  	s21 =	sshll.u32 s21, $0x7;
	v1 =	vor.u32 v2, v1  }
0x6b: {  	[tilespmem:s21+$0xA00] =	vst v1  }
0x6c: {  	v1 =	vld [tilespmem:s28+$0x610]  }
0x6d: {  	v2 =	vld [tilespmem:s20+$0x10]  }
0x6e: {  	v3 =	vld [tilespmem:s28+$0x690]  }
0x6f: {  	v22 =	vld [tilespmem:s20+$0x90]  }
0x70: {  	v23 =	vld [tilespmem:s20+$0x110]  }
0x71: {  	v24 =	vld [tilespmem:s28+$0x710]  }
0x72: {  	v25 =	vld [tilespmem:s20+$0x190];
	_ =	sdelay $0x1  }
0x73: {  	v26 =	vld [tilespmem:s28+$0x790]  }
0x74: {  	v2 =	vshll.u32 v2, $0x3;
	v4 =	vshll.u32 v22, $0x3  }
0x75: {  	v1 =	vshrl.u32 v1, v2;
	v2 =	vshrl.u32 v3, v4;
	v3 =	vshll.u32 v23, $0x3  }
0x76: {  	v27 =	vshll.u32 v25, $0x3;
	v2 =	vshll.u32 v2, $0x8;
	v3 =	vshrl.u32 v24, v3  }
0x77: {  	v1 =	vand.u32 $0xFF, v1;
	v2 =	vand.u32 $0xFF00, v2;
	v3 =	vshll.u32 v3, $0x10  }
0x78: {  	v1 =	vor.u32 v1, v2;
	v2 =	vand.u32 $0xFF0000, v3;
	v3 =	vshrl.u32 v26, v27  }
0x79: {  	v1 =	vor.u32 v2, v1;
	v2 =	vshll.u32 v3, $0x18  }
0x7a: {  	v1 =	vor.u32 v2, v1  }
0x7b: {  	[tilespmem:s21+$0xA10] =	vst v1  }
0x7c: {  	v1 =	vld [tilespmem:s28+$0x620]  }
0x7d: {  	v2 =	vld [tilespmem:s20+$0x20]  }
0x7e: {  	v3 =	vld [tilespmem:s28+$0x6A0]  }
0x7f: {  	v28 =	vld [tilespmem:s20+$0xA0]  }
0x80: {  	v29 =	vld [tilespmem:s20+$0x120]  }
0x81: {  	v30 =	vld [tilespmem:s28+$0x720]  }
0x82: {  	v31 =	vld [tilespmem:s20+$0x1A0];
	_ =	sdelay $0x1  }
0x83: {  	v32 =	vld [tilespmem:s28+$0x7A0]  }
0x84: {  	v2 =	vshll.u32 v2, $0x3;
	v4 =	vshll.u32 v28, $0x3  }
0x85: {  	v1 =	vshrl.u32 v1, v2;
	v2 =	vshrl.u32 v3, v4;
	v3 =	vshll.u32 v29, $0x3  }
0x86: {  	v33 =	vshll.u32 v31, $0x3;
	v2 =	vshll.u32 v2, $0x8;
	v3 =	vshrl.u32 v30, v3  }
0x87: {  	v1 =	vand.u32 $0xFF, v1;
	v2 =	vand.u32 $0xFF00, v2;
	v3 =	vshll.u32 v3, $0x10  }
0x88: {  	v1 =	vor.u32 v1, v2;
	v2 =	vand.u32 $0xFF0000, v3;
	v3 =	vshrl.u32 v32, v33  }
0x89: {  	v1 =	vor.u32 v2, v1;
	v2 =	vshll.u32 v3, $0x18  }
0x8a: {  	v1 =	vor.u32 v2, v1  }
0x8b: {  	[tilespmem:s21+$0xA20] =	vst v1  }
0x8c: {  	v1 =	vld [tilespmem:s28+$0x630]  }
0x8d: {  	v2 =	vld [tilespmem:s20+$0x30]  }
0x8e: {  	v3 =	vld [tilespmem:s28+$0x6B0]  }
0x8f: {  	v34 =	vld [tilespmem:s20+$0xB0]  }
0x90: {  	v35 =	vld [tilespmem:s20+$0x130]  }
0x91: {  	v36 =	vld [tilespmem:s28+$0x730]  }
0x92: {  	v37 =	vld [tilespmem:s20+$0x1B0];
	_ =	sdelay $0x1  }
0x93: {  	v38 =	vld [tilespmem:s28+$0x7B0]  }
0x94: {  	v2 =	vshll.u32 v2, $0x3;
	v4 =	vshll.u32 v34, $0x3  }
0x95: {  	v1 =	vshrl.u32 v1, v2;
	v2 =	vshrl.u32 v3, v4;
	v3 =	vshll.u32 v35, $0x3  }
0x96: {  	v39 =	vshll.u32 v37, $0x3;
	v2 =	vshll.u32 v2, $0x8;
	v3 =	vshrl.u32 v36, v3  }
0x97: {  	v1 =	vand.u32 $0xFF, v1;
	v2 =	vand.u32 $0xFF00, v2;
	v3 =	vshll.u32 v3, $0x10  }
0x98: {  	v1 =	vor.u32 v1, v2;
	v2 =	vand.u32 $0xFF0000, v3;
	v3 =	vshrl.u32 v38, v39  }
0x99: {  	v1 =	vor.u32 v2, v1;
	v2 =	vshll.u32 v3, $0x18  }
0x9a: {  	v1 =	vor.u32 v2, v1  }
0x9b: {  	[tilespmem:s21+$0xA30] =	vst v1  }
0x9c: {  	v1 =	vld [tilespmem:s28+$0x640]  }
0x9d: {  	v2 =	vld [tilespmem:s20+$0x40]  }
0x9e: {  	v3 =	vld [tilespmem:s28+$0x6C0]  }
0x9f: {  	v40 =	vld [tilespmem:s20+$0xC0]  }
0xa0: {  	v41 =	vld [tilespmem:s20+$0x140]  }
0xa1: {  	v42 =	vld [tilespmem:s28+$0x740]  }
0xa2: {  	v43 =	vld [tilespmem:s20+$0x1C0];
	_ =	sdelay $0x1  }
0xa3: {  	v44 =	vld [tilespmem:s28+$0x7C0]  }
0xa4: {  	v2 =	vshll.u32 v2, $0x3;
	v4 =	vshll.u32 v40, $0x3  }
0xa5: {  	v1 =	vshrl.u32 v1, v2;
	v2 =	vshrl.u32 v3, v4;
	v3 =	vshll.u32 v41, $0x3  }
0xa6: {  	v45 =	vshll.u32 v43, $0x3;
	v2 =	vshll.u32 v2, $0x8;
	v3 =	vshrl.u32 v42, v3  }
0xa7: {  	v1 =	vand.u32 $0xFF, v1;
	v2 =	vand.u32 $0xFF00, v2;
	v3 =	vshll.u32 v3, $0x10  }
0xa8: {  	v1 =	vor.u32 v1, v2;
	v2 =	vand.u32 $0xFF0000, v3;
	v3 =	vshrl.u32 v44, v45  }
0xa9: {  	v1 =	vor.u32 v2, v1;
	v2 =	vshll.u32 v3, $0x18  }
0xaa: {  	v1 =	vor.u32 v2, v1  }
0xab: {  	[tilespmem:s21+$0xA40] =	vst v1  }
0xac: {  	v1 =	vld [tilespmem:s28+$0x650]  }
0xad: {  	v2 =	vld [tilespmem:s20+$0x50]  }
0xae: {  	v3 =	vld [tilespmem:s28+$0x6D0]  }
0xaf: {  	v46 =	vld [tilespmem:s20+$0xD0]  }
0xb0: {  	v47 =	vld [tilespmem:s20+$0x150]  }
0xb1: {  	v48 =	vld [tilespmem:s28+$0x750]  }
0xb2: {  	v49 =	vld [tilespmem:s20+$0x1D0];
	_ =	sdelay $0x1  }
0xb3: {  	v50 =	vld [tilespmem:s28+$0x7D0]  }
0xb4: {  	v2 =	vshll.u32 v2, $0x3;
	v4 =	vshll.u32 v46, $0x3  }
0xb5: {  	v1 =	vshrl.u32 v1, v2;
	v2 =	vshrl.u32 v3, v4;
	v3 =	vshll.u32 v47, $0x3  }
0xb6: {  	v51 =	vshll.u32 v49, $0x3;
	v2 =	vshll.u32 v2, $0x8;
	v3 =	vshrl.u32 v48, v3  }
0xb7: {  	v1 =	vand.u32 $0xFF, v1;
	v2 =	vand.u32 $0xFF00, v2;
	v3 =	vshll.u32 v3, $0x10  }
0xb8: {  	v1 =	vor.u32 v1, v2;
	v2 =	vand.u32 $0xFF0000, v3;
	v3 =	vshrl.u32 v50, v51  }
0xb9: {  	v1 =	vor.u32 v2, v1;
	v2 =	vshll.u32 v3, $0x18  }
0xba: {  	v1 =	vor.u32 v2, v1  }
0xbb: {  	[tilespmem:s21+$0xA50] =	vst v1  }
0xbc: {  	v1 =	vld [tilespmem:s28+$0x660]  }
0xbd: {  	v2 =	vld [tilespmem:s20+$0x60]  }
0xbe: {  	v3 =	vld [tilespmem:s28+$0x6E0]  }
0xbf: {  	v52 =	vld [tilespmem:s20+$0xE0]  }
0xc0: {  	v53 =	vld [tilespmem:s20+$0x160]  }
0xc1: {  	v54 =	vld [tilespmem:s28+$0x760]  }
0xc2: {  	v55 =	vld [tilespmem:s20+$0x1E0];
	_ =	sdelay $0x1  }
0xc3: {  	v56 =	vld [tilespmem:s28+$0x7E0]  }
0xc4: {  	v2 =	vshll.u32 v2, $0x3;
	v4 =	vshll.u32 v52, $0x3  }
0xc5: {  	v1 =	vshrl.u32 v1, v2;
	v2 =	vshrl.u32 v3, v4;
	v3 =	vshll.u32 v53, $0x3  }
0xc6: {  	v57 =	vshll.u32 v55, $0x3;
	v2 =	vshll.u32 v2, $0x8;
	v3 =	vshrl.u32 v54, v3  }
0xc7: {  	v1 =	vand.u32 $0xFF, v1;
	v2 =	vand.u32 $0xFF00, v2;
	v3 =	vshll.u32 v3, $0x10  }
0xc8: {  	v1 =	vor.u32 v1, v2;
	v2 =	vand.u32 $0xFF0000, v3;
	v3 =	vshrl.u32 v56, v57  }
0xc9: {  	v1 =	vor.u32 v2, v1;
	v2 =	vshll.u32 v3, $0x18  }
0xca: {  	v1 =	vor.u32 v2, v1  }
0xcb: {  	[tilespmem:s21+$0xA60] =	vst v1  }
0xcc: {  	v1 =	vld [tilespmem:s28+$0x670]  }
0xcd: {  	v2 =	vld [tilespmem:s20+$0x70]  }
0xce: {  	v3 =	vld [tilespmem:s28+$0x6F0]  }
0xcf: {  	v58 =	vld [tilespmem:s20+$0xF0]  }
0xd0: {  	v59 =	vld [tilespmem:s20+$0x170]  }
0xd1: {  	v60 =	vld [tilespmem:s28+$0x770]  }
0xd2: {  	v61 =	vld [tilespmem:s20+$0x1F0];
	_ =	sdelay $0x1  }
0xd3: {  	v62 =	vld [tilespmem:s28+$0x7F0]  }
0xd4: {  	v2 =	vshll.u32 v2, $0x3;
	v4 =	vshll.u32 v58, $0x3  }
0xd5: {  	v1 =	vshrl.u32 v1, v2;
	v2 =	vshrl.u32 v3, v4;
	v3 =	vshll.u32 v59, $0x3  }
0xd6: {  	v63 =	vshll.u32 v61, $0x3;
	v3 =	vshrl.u32 v60, v3;
	v2 =	vshll.u32 v2, $0x8  }
0xd7: {  	v1 =	vand.u32 $0xFF, v1;
	v2 =	vand.u32 $0xFF00, v2;
	v3 =	vshll.u32 v3, $0x10  }
.Ltmp5:
0xd8: {  	v1 =	vor.u32 v1, v2;
	v2 =	vshrl.u32 v62, v63;
	v3 =	vand.u32 $0xFF0000, v3;
	(pc) =	sbr.rel .LBB2_7-.Ltmp5, $4  }
0xd9: {  	v1 =	vor.u32 v3, v1;
	v2 =	vshll.u32 v2, $0x18  }
0xda: {  	s29 =	sshrl.u32 s18, $0x2;
	s30 =	sshrl.u32 s18, $0x5;
	v1 =	vor.u32 v2, v1  }
0xdb: {  	s18 =	sadd.s32 s30, s6;
	s31 =	sor.u32 $0xA00, s21;
	s19 =	sand.u32 $0x7, s29;
	[tilespmem:s21+$0xA70] =	vst v1  }
0xdc: {  	[hbm4b:s18+s19] =	stream.linear.scatter [tilespmem:s31], [sflag:$0x4], $0x80, $0x38;
	[tilespmem:$0xB00] =	vst v63  }
.LBB2_8:
0xdd: {  	_ =	sfence.sel $0x180000  }
0xde: {  	s2 =	simm.s32 $0x2;
	[bflag:$0x0] =	sbarrier.arrive $0xFFFF  }
0xdf: {  	s29 =	simm.s32 $0x3;
	[sflag:s2] =	ssyncpa.u1 $0x1  }
0xe0: {  	s30 =	simm.s32 $0x4;
	[sflag:s29] =	ssyncpa.u1 $0x1  }
0xe1: {  	s31 =	simm.s32 $0x1;
	[sflag:s30] =	ssyncpa.u1 $0x1  }
0xe2: {  	[sflag:s31] =	ssyncpa.u1 $0x1  }
0xe3: {  	p0 =	sne.s32 s0, $0x0;
	_ =	strace $0x9000004A  }
0xe4: {  	s0 =	sadd.s32 @!p0 $0x100000, s1;
	[bflag:$0x2] =	sbarrier.arrive $0xFFFF  }
0xe5: {  	[sflag:s0] =	ssyncadd.tile.s32 @!p0 $0x1;
	_ =	shalt  }
.Lfunc_end2:
_tile_overlayer_lowered:
.L_overlay_start_2:
0xe6: {  	(tag) =	ssettag $0x2  }
0xe7: {  	s0 =	rddreg [dreg:$0x0];
	s2 =	stileid.u32  }
0xe8: {  	s1 =	rddreg [dreg:$0x1];
	p0 =	sne.s32 s2, $0x0  }
0xe9: {  	s3 =	rddreg [dreg:$0x2];
	[bflag:$0x3] =	sbarrier.arrive $0xFFFF;
	s2 =	simm.s32 @!p0 $0x1C01  }
0xea: {  	[timem:s3], [sflag:s2] =	dma.local @!p0 [hbm:s0], s1  }
0xeb: {  	s0 =	simm.s32 @!p0 $0x1  }
0xec: {  	_ =	swait.ge @!p0 [sflag:s0], s1  }
0xed: {  	s1 =	ssub.s32 @!p0 $0x0, s1;
	[sflag:s0] =	ssyncset.done @!p0 $0x0  }
0xee: {  	[sflag:s0] =	ssyncadd.s32 @!p0 s1  }
0xef: {  	[bflag:$0x3] =	sbarrier.arrive $0xFFFF  }
0xf0: {  	_ =	shalt  }

// kernel: gather_offload_async_start
scs
__scs_entry_jumppad:
0x0: {  	(pc) =	sbr.rel $0x88, $3  }
0x1: {  	(tag) =	ssettag $0x0;
	lr =	simm.s32 $0x1  }
0x2: {  	[smem:$0x3F9D] =	sst lr;
	_ =	strace $0xD0000000  }
0x3: {  	_ = 	snop  }
0x4: {  	_ = 	snop  }
0x5: {  	_ = 	snop  }
0x6: {  	_ = 	snop  }
0x7: {  	_ = 	snop  }
__scs_overlays_trampoline_lowered:
0x8: {  	[smem:$0x3FAC] =	sst s0  }
0x9: {  	[smem:$0x3FAD] =	sst s1  }
0xa: {  	[smem:$0x3FAE] =	sst s2  }
0xb: {  	[smem:$0x3FAF] =	sst s3  }
0xc: {  	[smem:$0x3FB0] =	sst s4  }
0xd: {  	[smem:$0x3FB1] =	sst s5  }
0xe: {  	[smem:$0x3FB2] =	sst s6  }
0xf: {  	[smem:$0x3FB3] =	sst s7  }
0x10: {  	[smem:$0x3FB4] =	sst s8  }
0x11: {  	[smem:$0x3FB5] =	sst s9;
	s0 =	simm.s32 @!p0 $0x0  }
0x12: {  	s1 =	sld [smem:$0x3F9B];
	s0 =	simm.s32 @p0 $0x1  }
0x13: {  	[smem:$0x3FB6] =	sst s0;
	s0 =	simm.s32 @!p1 $0x0  }
0x14: {  	s2 =	sld [smem:$0x3F9A];
	s0 =	simm.s32 @p1 $0x1  }
0x15: {  	[smem:$0x3FB7] =	sst s0;
	s0 =	simm.s32 @!p2 $0x0  }
0x16: {  	s3 =	sld [smem:$0x3FDB];
	s0 =	simm.s32 @p2 $0x1  }
0x17: {  	s4 =	simm.s32 $0x1BF5;
	[smem:$0x3FB9] =	sst s0  }
0x18: {  	s0 =	sld [smem:$0x3F9C];
	_ =	swait.ge [sflag:s4], $0x0  }
0x19: {  	s7 =	sld [smem:$0x3F9D]  }
0x1a: {  	s8 =	sadd.s32 $0xFFFFE003, lr  }
0x1b: {  	s9 =	sadd.s32 $0xFFFFFEF7, lr;
	s5 =	simm.s32 $0xFFFFFFFF;
	p2 =	slt.u32 s8, $0xFFFFF086  }
0x1c: {  	p1 =	slt.u32 s9, $0xF7A;
	s5 =	simm.s32 @!p2 $0x0  }
0x1d: {  	s5 =	simm.s32 @p1 $0x1;
	p0 =	seq.s32 s7, s2  }
0x1e: {  	s7 =	smul.u32 @!p0 $0xF7A, s2;
	p2 =	seq.s32 @!p0 s5, $0x0  }
0x1f: {  	s9 =	smul.u32 $0xF7A, s1;
	s8 =	simm.s32 @!p0 $0x1BF5;
	p2 =	por !p2, p0  }
0x20: {  	[sflag:s8] =	ssyncset.s32 @!p0 $0xFFFFF086;
	s6 =	sadd.s32 @!p0 s3, s7;
	s7 =	simm.s32 @!p0 $0x108  }
0x21: {  	s3 =	sadd.s32 s3, s9;
	s6 =	sadd.s32 @!p0 $0x88, s6;
	s7 =	simm.s32 @p2 $0x1082  }
0x22: {  	[simem:s7], [sflag:s8] =	dma.local @!p0 [hbm:s6], $0xF7A  }
0x23: {  	s9 =	sor.u32 $0xD0000000, s2;
	s6 =	simm.s32 $0x108;
	_ =	swait.ge @!p0 [sflag:s8], $0x0  }
0x24: {  	s3 =	sadd.s32 $0x88, s3;
	s6 =	simm.s32 @!p1 $0x1082;
	[sflag:s4] =	ssyncset.s32 $0xFFFFF086  }
0x25: {  	[simem:s6], [sflag:s4] =	dma.local [hbm:s3], $0xF7A  }
0x26: {  	[smem:$0x3F9D] =	sst s1;
	(tag) =	ssettag s2;
	_ =	strace s9  }
0x27: {  	s1 =	sld [smem:$0x3FAD]  }
0x28: {  	s2 =	sld [smem:$0x3FAE]  }
0x29: {  	s4 =	sld [smem:$0x3FB0]  }
0x2a: {  	p0 =	seq.s32 s5, $0x0;
	s5 =	sld [smem:$0x3FB1]  }
0x2b: {  	s6 =	sld [smem:$0x3FB2]  }
0x2c: {  	s7 =	sld [smem:$0x3FB3]  }
0x2d: {  	s3 =	simm.s32 $0x108;
	s8 =	sld [smem:$0x3FB4]  }
0x2e: {  	s3 =	simm.s32 @!p0 $0x1082;
	s9 =	sld [smem:$0x3FB5]  }
0x2f: {  	lr =	sadd.s32 s0, s3;
	s0 =	sld [smem:$0x3FAC]  }
0x30: {  	s3 =	sld [smem:$0x3FAF]  }
0x31: {  	[smem:$0x3FB8] =	sst s10  }
0x32: {  	s10 =	sld [smem:$0x3FB6];
	_ =	sdelay $0x3  }
0x33: {  	p0 =	seq.s32 s10, $0x1;
	s10 =	sld [smem:$0x3FB8];
	_ =	sdelay $0x3  }
0x34: {  	[smem:$0x3FB8] =	sst s10  }
0x35: {  	s10 =	sld [smem:$0x3FB7];
	_ =	sdelay $0x3  }
0x36: {  	p1 =	seq.s32 s10, $0x1;
	s10 =	sld [smem:$0x3FB8];
	_ =	sdelay $0x3  }
0x37: {  	[smem:$0x3FB8] =	sst s10  }
0x38: {  	s10 =	sld [smem:$0x3FB9]  }
0x39: {  	_ = 	snop;
	(pc) =	sbr.ind lr, $3  }
0x3a: {  	_ = 	snop  }
0x3b: {  	_ = 	snop  }
0x3c: {  	p2 =	seq.s32 s10, $0x1;
	s10 =	sld [smem:$0x3FB8]  }
0x3d: {  	_ =	shalt  }
0x3e: {  	_ =	shalt  }
0x3f: {  	_ =	shalt  }
0x40: {  	_ =	shalt  }
0x41: {  	_ =	shalt  }
0x42: {  	_ =	shalt  }
0x43: {  	_ =	shalt  }
0x44: {  	_ =	shalt  }
0x45: {  	_ =	shalt  }
0x46: {  	_ =	shalt  }
0x47: {  	_ =	shalt  }
0x48: {  	_ =	shalt  }
0x49: {  	_ =	shalt  }
0x4a: {  	_ =	shalt  }
0x4b: {  	_ =	shalt  }
0x4c: {  	_ =	shalt  }
0x4d: {  	_ =	shalt  }
0x4e: {  	_ =	shalt  }
0x4f: {  	_ =	shalt  }
0x50: {  	_ =	shalt  }
0x51: {  	_ =	shalt  }
0x52: {  	_ =	shalt  }
0x53: {  	_ =	shalt  }
0x54: {  	_ =	shalt  }
0x55: {  	_ =	shalt  }
0x56: {  	_ =	shalt  }
0x57: {  	_ =	shalt  }
0x58: {  	_ =	shalt  }
0x59: {  	_ =	shalt  }
0x5a: {  	_ =	shalt  }
0x5b: {  	_ =	shalt  }
0x5c: {  	_ =	shalt  }
0x5d: {  	_ =	shalt  }
0x5e: {  	_ =	shalt  }
0x5f: {  	_ =	shalt  }
0x60: {  	_ =	shalt  }
0x61: {  	_ =	shalt  }
0x62: {  	_ =	shalt  }
0x63: {  	_ =	shalt  }
0x64: {  	_ =	shalt  }
0x65: {  	_ =	shalt  }
0x66: {  	_ =	shalt  }
0x67: {  	_ =	shalt  }
0x68: {  	_ =	shalt  }
0x69: {  	_ =	shalt  }
0x6a: {  	_ =	shalt  }
0x6b: {  	_ =	shalt  }
0x6c: {  	_ =	shalt  }
0x6d: {  	_ =	shalt  }
0x6e: {  	_ =	shalt  }
0x6f: {  	_ =	shalt  }
0x70: {  	_ =	shalt  }
0x71: {  	_ =	shalt  }
0x72: {  	_ =	shalt  }
0x73: {  	_ =	shalt  }
0x74: {  	_ =	shalt  }
0x75: {  	_ =	shalt  }
0x76: {  	_ =	shalt  }
0x77: {  	_ =	shalt  }
0x78: {  	_ =	shalt  }
0x79: {  	_ =	shalt  }
0x7a: {  	_ =	shalt  }
0x7b: {  	_ =	shalt  }
0x7c: {  	_ =	shalt  }
0x7d: {  	_ =	shalt  }
0x7e: {  	_ =	shalt  }
0x7f: {  	_ =	shalt  }
0x80: {  	_ =	shalt  }
0x81: {  	_ =	shalt  }
0x82: {  	_ =	shalt  }
0x83: {  	_ =	shalt  }
0x84: {  	_ =	shalt  }
0x85: {  	_ =	shalt  }
0x86: {  	_ =	shalt  }
0x87: {  	_ =	shalt  }
.Lfunc_end0:
.L_simem_size_0:
called_computation_lowered:
.L_overlay_start_0:
0x88: {  	s2 =	sld [smem:$0x3FD9]  }
0x89: {  	s3 =	sld [smem:$0x3FFE];
	_ =	sdelay $0x1  }
0x8a: {  	s1 =	srdreg.scid  }
0x8b: {  	s0 =	sand.u32 $0x1, s1  }
0x8c: {  	s16 =	sshll.u32 s0, $0xA;
	s2 =	sadd.s32 s3, s2  }
0x8d: {  	s2 =	sadd.s32 s2, s16  }
0x8e: {  	[smem:$0x3FC4] =	sst s2  }
0x8f: {  	_ = 	snop  }
0x90: {  	(tm) =	ssettm $0x1  }
0x91: {  	s17 =	sld [smem:$0x3FFB];
	_ =	sdelay $0x3  }
0x92: {  	_ =	strace s17  }
0x93: {  	s2 =	sld [smem:$0x3FFC];
	_ =	sdelay $0x3  }
0x94: {  	_ =	strace s2  }
0x95: {  	s2 =	sld [smem:$0x3FFD];
	_ =	sdelay $0x3  }
0x96: {  	_ =	strace s2  }
0x97: {  	_ =	strace $0x8FFFFFFF  }
0x98: {  	s18 =	sld [smem:$0x3FDB];
	_ =	sdelay $0x1  }
0x99: {  	s19 =	simm.s32 $_scs_section_size  }
0x9a: {  	s4 =	simm.s32 $_size__tile_overlayer_lowered;
	s5 =	simm.s32 $_tile_overlayer_lowered  }
0x9b: {  	s22 =	simm.s32 $0x1BFF;
	s21 =	sshll.u32 s5, $0x1;
	s2 =	sadd.s32 s19, s18  }
0x9c: {  	s6 =	simm.s32 $0x0;
	s20 =	sshll.u32 s4, $0x1;
	s4 =	sadd.s32 s21, s2  }
0x9d: {  	[timem:s6], [sflag:s22] =	dma.local [hbm:s4], s20  }
0x9e: {  	_ =	swait.ge [sflag:s22], s20  }
0x9f: {  	s3 =	ssub.s32 $0x0, s20;
	[sflag:s22] =	ssyncset.done $0x0  }
0xa0: {  	[sflag:s22] =	ssyncadd.s32 s3;
	_ =	sdelay $0x1  }
0xa1: {  	s23 =	simm.s32 $0x1B8B  }
0xa2: {  	_ =	swait.ge [sflag:s23], $0x1  }
0xa3: {  	[sflag:s23] =	ssyncset.done $0x0  }
0xa4: {  	s25 =	simm.s32 $0x1B8E;
	s24 =	sld [smem:$0x3FFE];
	[sflag:s23] =	ssyncadd.s32 $0xFFFFFFFF  }
0xa5: {  	s26 =	simm.s32 $execute0_lowered;
	[smem:$0x3FD2] =	sst s25  }
0xa6: {  	s4 =	sshll.u32 s26, $0x1;
	_ =	strace $0x80000046;
	[dreg:$0x1] =	wrdreg $0xFFFFFFFF  }
0xa7: {  	s28 =	simm.s32 $_size_execute0_lowered;
	s2 =	sadd.s32 s2, s4;
	[dreg:$0x0] =	wrdreg $0x0  }
0xa8: {  	s4 =	sshll.u32 s28, $0x1;
	[dreg:$0x2] =	wrdreg s2  }
0xa9: {  	[dreg:$0x3] =	wrdreg s4  }
0xaa: {  	[dreg:$0x4] =	wrdreg $0xC0  }
0xab: {  	_ =	task [dreg:s6], $0x5FFFF  }
0xac: {  	[dreg:$0x1] =	wrdreg $0xFFFFFFFF  }
0xad: {  	[dreg:$0x0] =	wrdreg $0x60  }
0xae: {  	[dreg:$0x2] =	wrdreg s24  }
0xaf: {  	[dreg:$0x3] =	wrdreg $0x9  }
0xb0: {  	_ =	task.clear_ibuf [dreg:s6], $0x4FFFF;
	_ =	strace $0x90000046  }
0xb1: {  	s29 =	simm.s32 $0x9;
	_ =	strace $0x80000048  }
0xb2: {  	_ =	swait.ge [sflag:s29], $0x1  }
0xb3: {  	[sflag:s29] =	ssyncadd.s32 $0xFFFFFFFF  }
0xb4: {  	_ =	strace $0x90000048  }
0xb5: {  	_ =	sfence  }
0xb6: {  	s30 =	sld [smem:$0x0];
	_ =	sdelay $0x2  }
0xb7: {  	s31 =	sshll.u32 s1, $0xD;
	s1 =	sshrl.u32 s1, $0x2  }
0xb8: {  	s3 =	sand.u32 $0x4000, s31;
	s1 =	sadd.s32 s1, s30  }
0xb9: {  	s0 =	sor.u32 s3, s0;
	s1 =	sshll.u32 s1, $0x11  }
0xba: {  	s0 =	sor.u32 s1, s0  }
0xbb: {  	s0 =	sadd.s32 $0x8F2B, s0  }
0xbc: {  	[sflag:s0] =	ssyncadd.remote.s32 $0x1  }
0xbd: {  	_ =	sfence.sel $0xFFFF  }
0xbe: {  	[dreg:$0x0] =	wrdreg $0xFFFFFFFF;
	(pc) =	sbr.abs _section_cstart, $3  }
0xbf: {  	[dreg:$0x1] =	wrdreg $0xFFFFFFFF  }
0xc0: {  	_ =	task.clear_ibuf [dreg:s6], $0x2FFFF;
	_ =	strace $0x9FFFFFFF  }
0xc1: {  	(tm) =	ssettm $0x7FFFFFFF  }
tec
execute0_lowered:
.L_overlay_start_1:
0x0: {  	(tag) =	ssettag $0x1  }
0x1: {  	s0 =	srdreg.scid;
	s5 =	rddreg [dreg:$0x0]  }
0x2: {  	s1 =	stileid.u32;
	s6 =	simm.s32 $0x1;
	s9 =	simm.s32 $0x1  }
0x3: {  	s10 =	simm.s32 $0x3;
	s13 =	simm.s32 $0x0;
	s2 =	sshll.u32 s0, $0x7  }
0x4: {  	s12 =	simm.s32 $0x0;
	s3 =	sshll.u32 s1, $0x8;
	s2 =	sand.u32 $0x80, s2  }
0x5: {  	s0 =	rddreg [dreg:$0x1];
	_ =	strace $0x80000047;
	s2 =	sor.u32 s3, s2  }
0x6: {  	s4 =	sadd.s32 $0x1000, s5;
	[sflag:s6] =	ssyncpa.u1 $0x0;
	s8 =	ssub.s32 $0x2000, s2  }
.Ltmp0:
0x7: {  	s3 =	sadd.s32 $0xC00, s5;
	s7 =	sand.u32 $0xF80, s8;
	(pc) =	sbr.rel .LBB2_1-.Ltmp0, $4  }
0x8: {  	s5 =	sadd.s32 $0x775400, s5;
	s11 =	smov.u32 s2;
	p0 =	sne.s32 s7, $0x0  }
0x9: {  	s8 =	sshrl.u32 s8, $0xC;
	s7 =	simm.s32 $0x2;
	s9 =	simm.s32 @!p0 $0x0  }
0xa: {  	[sflag:s7] =	ssyncpa.u1 $0x0;
	p0 =	por $0x0, $0x0;
	s8 =	sadd.s32 s9, s8  }
0xb: {  	vm0 =	vmmov $0xffff;
	[sflag:s10] =	ssyncpa.u1 $0x0;
	s10 =	simm.s32 $0x0;
	s9 =	sadd.s32 $0x1, s8  }
.LBB2_4:
0xc: {  	v2 =	vnsel vm1, $0x0, v2  }
0xd: {  	vm1 =	vgt.s32 v0, $0x0;
	v2 =	vmin.u32 v2, $0x1FFF  }
0xe: {  	v0 =	vnsel vm1, $0x0, v0  }
0xf: {  	v0 =	vmin.u32 v0, $0x1FFF  }
0x10: {  	[tilespmem:s15], [sflag:$0x1] =	stream.indirect_vreg.gather [hbm4b:s3+s10], $0x1, v1, vm0, $0x4038;
	[tilespmem:$0x200] =	vst v63  }
0x11: {  	(ifvalue) =	ssetifvalue $0x7FFFFFFF  }
0x12: {  	[tilespmem:s16], [sflag:$0x1] =	stream.indirect_vreg.gather [hbm4b:s3+s10], $0x1, v2, vm0, $0x4038;
	[tilespmem:$0x200] =	vst v63  }
0x13: {  	s29 =	sadd.s32 $0x10, s16;
	(ifvalue) =	ssetifvalue $0x7FFFFFFF  }
0x14: {  	[tilespmem:s29], [sflag:$0x1] =	stream.indirect_vreg.gather [hbm4b:s3+s10], $0x1, v0, vm0, $0x4038;
	[tilespmem:$0x200] =	vst v63  }
0x15: {  	_ =	swait.ge [sflag:s6], $0x80  }
0x16: {  	s30 =	sshrl.u32 s13, $0x3;
	[sflag:s6] =	ssyncset.done $0x0  }
0x17: {  	s31 =	sand.u32 $0x7, s13;
	s15 =	sadd.s32 s5, s30;
	[sflag:s6] =	ssyncadd.s32 $0xFFFFFF80  }
0x18: {  	[hbm4b:s15+s31] =	stream.linear.scatter [tilespmem:s14], [sflag:$0x3], $0x80, $0x38;
	[tilespmem:$0x200] =	vst v63  }
.LBB2_5:
0x19: {  	s15 =	sadd.s32 $0x1000, s11  }
0x1a: {  	p2 =	sgt.s32 s15, $0x1FFF  }
0x1b: {  	s15 =	smov.u32 @p2 s2;
	p2 =	sne.s32 s12, s9  }
.Ltmp1:
0x1c: {  	p1 =	slt.u32 s12, $0x2;
	(pc) =	sbr.rel @!p2 .LBB2_6-.Ltmp1, $4  }
0x1d: {  	s14 =	simm.s32 @!p1 $0x3  }
0x1e: {  	s16 =	sadd.s32 $0x1, s12;
	_ =	swait.ge @!p1 [sflag:s14], $0x80  }
0x1f: {  	s13 =	smov.u32 s11;
	p0 =	por !p0, !p0;
	[sflag:s14] =	ssyncset.done @!p1 $0x0  }
0x20: {  	s12 =	smov.u32 s16;
	s11 =	smov.u32 s15;
	[sflag:s14] =	ssyncadd.s32 @!p1 $0xFFFFFF80  }
.LBB2_1:
0x21: {  	p1 =	sge.u32 s12, s8  }
0x22: {  	s14 =	sxor.u32 @!p1 $0xFFFFFFFF, s12  }
0x23: {  	s31 =	sadd.s32 $0xFFFFFFFF, s12;
	s15 =	sshrl.u32 @!p1 s11, $0x3;
	s14 =	sshll.u32 @!p1 s14, $0x7  }
0x24: {  	s16 =	sand.u32 @!p1 $0x7, s11;
	s15 =	sadd.s32 @!p1 s4, s15;
	s14 =	sand.u32 @!p1 $0x80, s14  }
0x25: {  	[tilespmem:s14], [sflag:$0x2] =	stream.linear.gather @!p1 [hbm4b:s15+s16], $0x80, $0x38;
	[tilespmem:$0x200] =	vst v63  }
0x26: {  	p1 =	sge.u32 s31, s8  }
.Ltmp2:
0x27: {  	_ = 	snop;
	(pc) =	sbr.rel @p1 .LBB2_5-.Ltmp2, $1  }
0x28: {  	_ =	sdelay $0x3  }
0x29: {  	s14 =	simm.s32 $0x1  }
0x2a: {  	_ =	swait.ge [sflag:s7], $0x80;
	s14 =	simm.s32 @!p0 $0x0  }
0x2b: {  	[sflag:s7] =	ssyncset.done $0x0;
	s14 =	sshll.u32 s14, $0x7  }
0x2c: {  	[sflag:s7] =	ssyncadd.s32 $0xFFFFFF80;
	(ifvalue) =	ssetifvalue $0x7FFFFFFF;
	v0 =	vld.msk [tilespmem:s14+$0x0 ss:$0x1], $0xffff;
	_ =	sdelay $0x4  }
0x2d: {  	s15 =	sadd.s32 $0x10, s14;
	vm1 =	vgt.s32 v0, $0x0  }
0x2e: {  	v2 =	vld.msk [tilespmem:s15+$0x0 ss:$0x1], $0xffff;
	v1 =	vnsel vm1, $0x0, v0  }
0x2f: {  	v1 =	vmin.u32 v1, $0x1FFF;
	_ =	sdelay $0x1  }
0x30: {  	s16 =	sshll.u32 s12, $0x7;
	s18 =	simm.s32 $0x20  }
0x31: {  	s16 =	sand.u32 $0x80, s16;
	s17 =	sadd.s32 $0x10, s15;
	s15 =	sor.u32 $0x100, s14  }
0x32: {  	s14 =	sor.u32 $0x100, s16;
	s16 =	sadd.s32 $0x10, s15;
	v0 =	vld.msk [tilespmem:s17+$0x0 ss:$0x1], $0xffff;
	vm1 =	vgt.s32 v2, $0x0;
	(ifvalue) =	ssetifvalue $0x7FFFFFFF  }
.LBB2_3:
0x33: {  	[tilespmem:s15], [sflag:$0x1] =	stream.indirect_vreg.gather [hbm4b:s3+s10], $0x1, v1, vm0, $0x4038;
	[tilespmem:$0x200] =	vst v63  }
0x34: {  	s18 =	sadd.s32 $0x10, s18  }
0x35: {  	v2 =	vnsel vm1, $0x0, v2;
	p1 =	slt.u32 s18, $0x70  }
.Ltmp3:
0x36: {  	s15 =	smov.u32 s16;
	v1 =	vmin.u32 v2, $0x1FFF;
	(pc) =	sbr.rel @p1 .LBB2_3-.Ltmp3, $3  }
0x37: {  	_ =	sdelay $0x1  }
0x38: {  	s17 =	sadd.s32 $0x10, s17  }
0x39: {  	vm1 =	vgt.s32 v0, $0x0;
	s16 =	sadd.s32 $0x10, s16;
	v2 =	vmov v0;
	(ifvalue) =	ssetifvalue $0x7FFFFFFF;
	v0 =	vld.msk [tilespmem:s17+$0x0 ss:$0x1], $0xffff  }
.Ltmp4:
0x3a: {  	_ = 	snop;
	(pc) =	sbr.rel .LBB2_4-.Ltmp4, $1  }
0x3b: {  	_ =	sdelay $0x3  }
.LBB2_6:
0x3c: {  	_ =	sfence.sel $0x180000  }
0x3d: {  	s2 =	simm.s32 $0x2;
	[bflag:$0x0] =	sbarrier.arrive $0xFFFF  }
0x3e: {  	s30 =	simm.s32 $0x3;
	[sflag:s2] =	ssyncpa.u1 $0x1  }
0x3f: {  	s31 =	simm.s32 $0x1;
	[sflag:s30] =	ssyncpa.u1 $0x1  }
0x40: {  	[sflag:s31] =	ssyncpa.u1 $0x1  }
0x41: {  	p0 =	sne.s32 s1, $0x0;
	_ =	strace $0x90000047  }
0x42: {  	s0 =	sadd.s32 @!p0 $0x100000, s0;
	[bflag:$0x2] =	sbarrier.arrive $0xFFFF  }
0x43: {  	[sflag:s0] =	ssyncadd.tile.s32 @!p0 $0x1;
	_ =	shalt  }
.Lfunc_end2:
_tile_overlayer_lowered:
.L_overlay_start_2:
0x44: {  	(tag) =	ssettag $0x2  }
0x45: {  	s0 =	rddreg [dreg:$0x0];
	s2 =	stileid.u32  }
0x46: {  	s1 =	rddreg [dreg:$0x1];
	p0 =	sne.s32 s2, $0x0  }
0x47: {  	s3 =	rddreg [dreg:$0x2];
	[bflag:$0x3] =	sbarrier.arrive $0xFFFF;
	s2 =	simm.s32 @!p0 $0x1C01  }
0x48: {  	[timem:s3], [sflag:s2] =	dma.local @!p0 [hbm:s0], s1  }
0x49: {  	s0 =	simm.s32 @!p0 $0x1  }
0x4a: {  	_ =	swait.ge @!p0 [sflag:s0], s1  }
0x4b: {  	s1 =	ssub.s32 @!p0 $0x0, s1;
	[sflag:s0] =	ssyncset.done @!p0 $0x0  }
0x4c: {  	[sflag:s0] =	ssyncadd.s32 @!p0 s1  }
0x4d: {  	[bflag:$0x3] =	sbarrier.arrive $0xFFFF  }
0x4e: {  	_ =	shalt  }

</sc_bundles>
